<compile_context>
chip_gen: v7x
topology: tpu7x:2x2x1
jax: 0.10.2.dev20260603
libtpu: 0.0.44.dev20260713+nightly
codegen_flags: <defaults>
</compile_context>

<pallas_src>
import functools

import jax
import jax.numpy as jnp
from jax.experimental import pallas as pl
from jax.experimental.pallas import tpu as pltpu
from jax.experimental.pallas import tpu_sc as plsc

_BT = 2048
_BV = 2048


_LN2 = 0.6931471805599453
_LOG2E = 1.4426950408889634


def _nlp_body(V, x_ref, w_ref, b_ref, tgt_ref, rn_ref, un_ref, wt_ref,
              wlp_ref, ppl_ref, acc_sc):
    it = pl.program_id(0)
    NT = pl.num_programs(0)
    BT = x_ref.shape[0]

    x = (x_ref[...] * jnp.float32(_LOG2E)).astype(jnp.bfloat16)
    tgt = tgt_ref[...]
    s = jnp.zeros((BT, 1), jnp.float32)
    tl = jnp.zeros((BT, 1), jnp.float32)
    for c in range(pl.cdiv(V, _BV)):
        lo = c * _BV
        hi = min(V, lo + _BV)
        l2 = jnp.dot(x, w_ref[:, lo:hi],
                     preferred_element_type=jnp.float32) + b_ref[:, lo:hi]
        lane = jax.lax.broadcasted_iota(jnp.int32, l2.shape, 1)
        s = s + jnp.sum(jnp.exp2(l2), axis=1, keepdims=True)
        tl = tl + jnp.sum(jnp.where(lane == tgt - lo, l2, 0.0),
                          axis=1, keepdims=True)

    lp = tl * _LN2 - jnp.log(s)
    wlp_ref[...] = lp * wt_ref[...]
    rn = rn_ref[...]
    un = un_ref[...]
    srow = jax.lax.broadcasted_iota(jnp.int32, (8, 128), 0)
    part = (jnp.where(srow == 0, jnp.sum(lp * rn), 0.0)
            + jnp.where(srow == 1, jnp.sum(lp * un), 0.0)
            + jnp.where(srow == 2, jnp.sum(rn), 0.0)
            + jnp.where(srow == 3, jnp.sum(un), 0.0))

    @pl.when(it == 0)
    def _first():
        acc_sc[...] = part

    @pl.when(it != 0)
    def _rest():
        acc_sc[...] += part

    @pl.when(it == NT - 1)
    def _emit():
        a = acc_sc[...]
        ppl_ref[...] = jnp.exp(-(a[0:2, :] / a[2:4, :]))


def _sc_gather_body(B, MV, L, wlp_hbm, idx_hbm, rm_hbm, out_hbm,
                    g_v, idx_v, rm_v, out_v):
    wid = jax.lax.axis_index("s") * 2 + jax.lax.axis_index("c")

    @pl.when(wid < B)
    def _work():
        pltpu.sync_copy(idx_hbm.at[wid], idx_v)
        pltpu.sync_copy(rm_hbm.at[wid], rm_v)
        pltpu.sync_copy(wlp_hbm.at[idx_v], g_v)
        acc = jnp.zeros((L,), jnp.float32)
        cnt = jnp.zeros((L,), jnp.float32)
        for j in range(MV // L):
            g = g_v[pl.ds(j * L, L)]
            r = rm_v[pl.ds(j * L, L)]
            acc = acc + g * r
            cnt = cnt + r
        s = acc[0]
        c = cnt[0]
        for i in range(1, L):
            s = s + acc[i]
            c = c + cnt[i]
        li = jax.lax.broadcasted_iota(jnp.int32, (L,), 0)
        num = jnp.where(li == 0, s, 0.0)
        den = jnp.where(li == 0, c, 1.0)
        out_v[...] = num / den
        pltpu.sync_copy(out_v, out_hbm.at[wid])


def kernel(var_encoding, variable_tgt_name_id, var_with_new_name_mask,
           auxiliary_var_mask, variable_tgt_name_weight,
           restoration_indices, restoration_mask, W, b):
    T, D = var_encoding.shape
    V = W.shape[1]
    B, MV = restoration_indices.shape
    NT = T // _BT

    wb = W.astype(jnp.bfloat16)
    b2 = (b * _LOG2E).reshape(1, V).astype(jnp.float32)

    tgt2 = variable_tgt_name_id.reshape(T, 1).astype(jnp.int32)
    rn2 = var_with_new_name_mask.reshape(T, 1).astype(jnp.float32)
    un2 = auxiliary_var_mask.reshape(T, 1).astype(jnp.float32)
    wt2 = variable_tgt_name_weight.reshape(T, 1)

    wlp, ppl = pl.pallas_call(
        functools.partial(_nlp_body, V),
        grid=(NT,),
        in_specs=[
            pl.BlockSpec((_BT, D), lambda it: (it, 0)),
            pl.BlockSpec((D, V), lambda it: (0, 0)),
            pl.BlockSpec((1, V), lambda it: (0, 0)),
            pl.BlockSpec((_BT, 1), lambda it: (it, 0)),
            pl.BlockSpec((_BT, 1), lambda it: (it, 0)),
            pl.BlockSpec((_BT, 1), lambda it: (it, 0)),
            pl.BlockSpec((_BT, 1), lambda it: (it, 0)),
        ],
        out_specs=[
            pl.BlockSpec((_BT, 1), lambda it: (it, 0)),
            pl.BlockSpec((2, 128), lambda it: (0, 0)),
        ],
        out_shape=[
            jax.ShapeDtypeStruct((T, 1), jnp.float32),
            jax.ShapeDtypeStruct((2, 128), jnp.float32),
        ],
        scratch_shapes=[
            pltpu.VMEM((8, 128), jnp.float32),
        ],
    )(var_encoding, wb, b2, tgt2, rn2, un2, wt2)

    L = 16
    sc_gather = functools.partial(
        pl.kernel,
        mesh=plsc.VectorSubcoreMesh(core_axis_name="c", subcore_axis_name="s"),
        out_type=jax.ShapeDtypeStruct((B, L), jnp.float32),
        scratch_types=[
            pltpu.VMEM((MV,), jnp.float32),
            pltpu.VMEM((MV,), jnp.int32),
            pltpu.VMEM((MV,), jnp.float32),
            pltpu.VMEM((L,), jnp.float32),
        ],
    )(functools.partial(_sc_gather_body, B, MV, L))

    ast2 = sc_gather(wlp.reshape(T),
                     restoration_indices.astype(jnp.int32),
                     restoration_mask.astype(jnp.float32))

    ast_log_probs = ast2[:, 0]
    rename_ppl = ppl[0, 0]
    unchange_ppl = ppl[1, 0]
    return (ast_log_probs, rename_ppl, unchange_ppl)

# --- scband reference (transcript-rebuilt; emitter-appended) ---
"""Pipeline reference for scband-renaming-model-15350213116064 (READ-ONLY COPY).

The authoritative reference and input builder live on the scoring server;
editing this copy changes nothing except your own understanding.
"""

import jax, jax.numpy as jnp
import numpy as np

T = 4096   # total packed variable master nodes (ragged batch flattened)
D = 256    # d_model
V = 10000  # target name vocab
B = 16     # number of ASTs in batch
MV = 512   # max variables per AST (padded restoration index length)


def setup_inputs(seed: int = 0) -> dict:
    key = jax.random.key(seed)
    ks = jax.random.split(key, 9)
    inp = {
        "var_encoding": jax.random.normal(ks[0], (T, D), dtype=jnp.float32),
        "variable_tgt_name_id": jax.random.randint(ks[1], (T,), 0, V, dtype=jnp.int64 if jax.config.jax_enable_x64 else jnp.int32).astype(jnp.int32),
        "var_with_new_name_mask": jax.random.randint(ks[2], (T,), 0, 2, dtype=jnp.int32),
        "auxiliary_var_mask": jax.random.randint(ks[3], (T,), 0, 2, dtype=jnp.int32),
        "variable_tgt_name_weight": jax.random.uniform(ks[4], (T,), dtype=jnp.float32),
        "restoration_indices": jax.random.randint(ks[5], (B, MV), 0, T, dtype=jnp.int32),
        "restoration_mask": jax.random.randint(ks[6], (B, MV), 0, 2, dtype=jnp.int32),
        "W": jax.random.normal(ks[7], (D, V), dtype=jnp.float32) * 0.02,
        "b": jnp.zeros((V,), dtype=jnp.float32),
    }
    return inp


def reference(var_encoding, variable_tgt_name_id, var_with_new_name_mask,
              auxiliary_var_mask, variable_tgt_name_weight,
              restoration_indices, restoration_mask, W, b):
    # decoder: linear projection over target-name vocab + log-softmax
    logits = var_encoding @ W + b                      # [T, V]
    packed_var_name_log_probs = jax.nn.log_softmax(logits, axis=-1)
    # gather gold target-name log-prob per packed variable node
    packed_tgt_lp = jnp.take_along_axis(
        packed_var_name_log_probs, variable_tgt_name_id[:, None].astype(jnp.int32), axis=-1
    ).squeeze(-1)                                      # [T]
    # diagnostics (torch.no_grad block)
    renamed_var_mask = var_with_new_name_mask.astype(jnp.float32)
    unchanged_var_mask = auxiliary_var_mask.astype(jnp.float32)
    renamed_var_avg_ll = (packed_tgt_lp * renamed_var_mask).sum(-1) / renamed_var_mask.sum()
    unchanged_var_avg_ll = (packed_tgt_lp * unchanged_var_mask).sum(-1) / unchanged_var_mask.sum()
    rename_ppl = jnp.exp(-renamed_var_avg_ll)
    unchange_ppl = jnp.exp(-unchanged_var_avg_ll)
    # weighted target log-probs, restore ragged per-AST layout via gather
    weighted_lp = packed_tgt_lp * variable_tgt_name_weight   # [T]
    tgt_name_log_probs = weighted_lp[restoration_indices]    # [B, MV]
    rmask = restoration_mask.astype(jnp.float32)
    tgt_name_log_probs = tgt_name_log_probs * rmask
    ast_log_probs = tgt_name_log_probs.sum(axis=-1) / rmask.sum(axis=-1)  # [B]
    return (ast_log_probs, rename_ppl, unchange_ppl)

if __name__ == "__main__":
    import jax
    _d = setup_inputs()
    print(jax.jit(kernel)(*tuple(_d.values())))

</pallas_src>

<mosaic_0001>
#map = affine_map<(d0, d1) -> (0)>
#map1 = affine_map<(d0, d1) -> (0, 0)>
module attributes {stable_mosaic.version = 14 : i64} {
  func.func @_sc_gather_body(%arg0: i32, %arg1: i32, %arg2: memref<4096xf32, #tpu.memory_space<hbm>>, %arg3: memref<16x512xi32, #tpu.memory_space<hbm>>, %arg4: memref<16x512xf32, #tpu.memory_space<hbm>>, %arg5: memref<16x16xf32, #tpu.memory_space<hbm>>, %arg6: memref<512xf32, #tpu.memory_space<vmem>>, %arg7: memref<512xi32, #tpu.memory_space<vmem>>, %arg8: memref<512xf32, #tpu.memory_space<vmem>>, %arg9: memref<16xf32, #tpu.memory_space<vmem>>) attributes {dimension_semantics = [#tpu.dimension_semantics<core_parallel>, #tpu.dimension_semantics<subcore_parallel>], iteration_bounds = array<i64: 2, 16>, scalar_prefetch = 0 : i64, scratch_operands = 4 : i64, tpu.core_type = #tpu.core_type<sc_vector_subcore>, window_params = [{transform_indices = #map}, {transform_indices = #map1}, {transform_indices = #map1}, {transform_indices = #map1}]} {
    %mul3A = arith.constant 2 : i32
    %mul3A_0 = arith.muli %arg1, %mul3A : i32
    %add3A = arith.addi %mul3A_0, %arg0 : i32
    %lt3A = arith.constant 16 : i32
    %lt3A_1 = arith.cmpi slt, %add3A, %lt3A : i32
    %convert_element_type3A = arith.extui %lt3A_1 : i1 to i32
    %cond3A = arith.constant 0 : i32
    %cond3A_2 = arith.cmpi ne, %convert_element_type3A, %cond3A : i32
    scf.if %cond3A_2 {
      "tpu.region"() ({
        %run_scoped3A = tpu.sem_alloc : memref<!tpu.dma_semaphore, #tpu.memory_space<semaphore_mem>>
        %dma_start3A = arith.constant 0 : i32
        %dma_start3A_399 = tpu.memref_slice %arg3[%add3A, %dma_start3A] : memref<16x512xi32, #tpu.memory_space<hbm>> -> memref<1x512xi32, #tpu.memory_space<hbm>>
        %dma_start3A_400 = tpu.memref_squeeze %dma_start3A_399 : memref<1x512xi32, #tpu.memory_space<hbm>> -> memref<512xi32, #tpu.memory_space<hbm>>
        %dma_start3A_401 = arith.constant 0 : i32
        %dma_start3A_402 = tpu.memref_slice %arg3[%add3A, %dma_start3A_401] : memref<16x512xi32, #tpu.memory_space<hbm>> -> memref<1x512xi32, #tpu.memory_space<hbm>>
        %dma_start3A_403 = tpu.memref_squeeze %dma_start3A_402 : memref<1x512xi32, #tpu.memory_space<hbm>> -> memref<512xi32, #tpu.memory_space<hbm>>
        tpu.enqueue_dma source(%dma_start3A_403 : memref<512xi32, #tpu.memory_space<hbm>>) target(%arg7 : memref<512xi32, #tpu.memory_space<vmem>>) target_semaphore(%run_scoped3A : memref<!tpu.dma_semaphore, #tpu.memory_space<semaphore_mem>>)
        %dma_wait3A = arith.constant 0 : i32
        %dma_wait3A_404 = tpu.memref_slice %arg3[%add3A, %dma_wait3A] : memref<16x512xi32, #tpu.memory_space<hbm>> -> memref<1x512xi32, #tpu.memory_space<hbm>>
        %dma_wait3A_405 = tpu.memref_squeeze %dma_wait3A_404 : memref<1x512xi32, #tpu.memory_space<hbm>> -> memref<512xi32, #tpu.memory_space<hbm>>
        %dma_wait3A_406 = arith.constant 0 : i32
        %dma_wait3A_407 = tpu.memref_slice %arg3[%add3A, %dma_wait3A_406] : memref<16x512xi32, #tpu.memory_space<hbm>> -> memref<1x512xi32, #tpu.memory_space<hbm>>
        %dma_wait3A_408 = tpu.memref_squeeze %dma_wait3A_407 : memref<1x512xi32, #tpu.memory_space<hbm>> -> memref<512xi32, #tpu.memory_space<hbm>>
        tpu.wait_dma2 semaphore(%run_scoped3A : memref<!tpu.dma_semaphore, #tpu.memory_space<semaphore_mem>>) src(%dma_wait3A_408 : memref<512xi32, #tpu.memory_space<hbm>>) dst(%arg7 : memref<512xi32, #tpu.memory_space<vmem>>)
        tpu.yield
      }) : () -> ()
      "tpu.region"() ({
        %run_scoped3A = tpu.sem_alloc : memref<!tpu.dma_semaphore, #tpu.memory_space<semaphore_mem>>
        %dma_start3A = arith.constant 0 : i32
        %dma_start3A_399 = tpu.memref_slice %arg4[%add3A, %dma_start3A] : memref<16x512xf32, #tpu.memory_space<hbm>> -> memref<1x512xf32, #tpu.memory_space<hbm>>
        %dma_start3A_400 = tpu.memref_squeeze %dma_start3A_399 : memref<1x512xf32, #tpu.memory_space<hbm>> -> memref<512xf32, #tpu.memory_space<hbm>>
        %dma_start3A_401 = arith.constant 0 : i32
        %dma_start3A_402 = tpu.memref_slice %arg4[%add3A, %dma_start3A_401] : memref<16x512xf32, #tpu.memory_space<hbm>> -> memref<1x512xf32, #tpu.memory_space<hbm>>
        %dma_start3A_403 = tpu.memref_squeeze %dma_start3A_402 : memref<1x512xf32, #tpu.memory_space<hbm>> -> memref<512xf32, #tpu.memory_space<hbm>>
        tpu.enqueue_dma source(%dma_start3A_403 : memref<512xf32, #tpu.memory_space<hbm>>) target(%arg8 : memref<512xf32, #tpu.memory_space<vmem>>) target_semaphore(%run_scoped3A : memref<!tpu.dma_semaphore, #tpu.memory_space<semaphore_mem>>)
        %dma_wait3A = arith.constant 0 : i32
        %dma_wait3A_404 = tpu.memref_slice %arg4[%add3A, %dma_wait3A] : memref<16x512xf32, #tpu.memory_space<hbm>> -> memref<1x512xf32, #tpu.memory_space<hbm>>
        %dma_wait3A_405 = tpu.memref_squeeze %dma_wait3A_404 : memref<1x512xf32, #tpu.memory_space<hbm>> -> memref<512xf32, #tpu.memory_space<hbm>>
        %dma_wait3A_406 = arith.constant 0 : i32
        %dma_wait3A_407 = tpu.memref_slice %arg4[%add3A, %dma_wait3A_406] : memref<16x512xf32, #tpu.memory_space<hbm>> -> memref<1x512xf32, #tpu.memory_space<hbm>>
        %dma_wait3A_408 = tpu.memref_squeeze %dma_wait3A_407 : memref<1x512xf32, #tpu.memory_space<hbm>> -> memref<512xf32, #tpu.memory_space<hbm>>
        tpu.wait_dma2 semaphore(%run_scoped3A : memref<!tpu.dma_semaphore, #tpu.memory_space<semaphore_mem>>) src(%dma_wait3A_408 : memref<512xf32, #tpu.memory_space<hbm>>) dst(%arg8 : memref<512xf32, #tpu.memory_space<vmem>>)
        tpu.yield
      }) : () -> ()
      "tpu.region"() ({
        %run_scoped3A = tpu.sem_alloc : memref<!tpu.dma_semaphore, #tpu.memory_space<semaphore_mem>>
        %dma_start3A = arith.constant 0 : i32
        %dma_start3A_399 = tpu.memref_slice %arg2[%dma_start3A] : memref<4096xf32, #tpu.memory_space<hbm>> -> memref<4096xf32, #tpu.memory_space<hbm>>
        tpu.enqueue_indirect_dma source(%dma_start3A_399 : memref<4096xf32, #tpu.memory_space<hbm>>) target(%arg6 : memref<512xf32, #tpu.memory_space<vmem>>) offsets(%arg7 : memref<512xi32, #tpu.memory_space<vmem>>) semaphore(%run_scoped3A : memref<!tpu.dma_semaphore, #tpu.memory_space<semaphore_mem>>)
        %dma_wait3A = arith.constant 0 : i32
        %dma_wait3A_400 = tpu.memref_slice %arg2[%dma_wait3A] : memref<4096xf32, #tpu.memory_space<hbm>> -> memref<4096xf32, #tpu.memory_space<hbm>>
        tpu.wait_indirect_dma semaphore(%run_scoped3A : memref<!tpu.dma_semaphore, #tpu.memory_space<semaphore_mem>>) src(%dma_wait3A_400 : memref<4096xf32, #tpu.memory_space<hbm>>) dst(%arg6 : memref<512xf32, #tpu.memory_space<vmem>>)
        tpu.yield
      }) : () -> ()
      %broadcast_in_dim3A = arith.constant 0.000000e+00 : f32
      %broadcast_in_dim3A_3 = vector.broadcast %broadcast_in_dim3A : f32 to vector<16xf32>
      %broadcast_in_dim3A_4 = arith.constant 0.000000e+00 : f32
      %broadcast_in_dim3A_5 = vector.broadcast %broadcast_in_dim3A_4 : f32 to vector<16xf32>
      %get3A = arith.constant 0 : index
      %get3A_6 = tpu.vector_load %arg6[%get3A] {strides = array<i32>} : memref<512xf32, #tpu.memory_space<vmem>>, vector<16xf32>,
      %get3A_7 = vector.shape_cast %get3A_6 : vector<16xf32> to vector<16xf32>
      %get3A_8 = arith.constant 0 : index
      %get3A_9 = tpu.vector_load %arg8[%get3A_8] {strides = array<i32>} : memref<512xf32, #tpu.memory_space<vmem>>, vector<16xf32>,
      %get3A_10 = vector.shape_cast %get3A_9 : vector<16xf32> to vector<16xf32>
      %mul3A_11 = arith.mulf %get3A_7, %get3A_10 : vector<16xf32>
      %add3A_12 = arith.addf %broadcast_in_dim3A_3, %mul3A_11 : vector<16xf32>
      %add3A_13 = arith.addf %broadcast_in_dim3A_5, %get3A_10 : vector<16xf32>
      %get3A_14 = arith.constant 16 : index
      %get3A_15 = tpu.vector_load %arg6[%get3A_14] {strides = array<i32>} : memref<512xf32, #tpu.memory_space<vmem>>, vector<16xf32>,
      %get3A_16 = vector.shape_cast %get3A_15 : vector<16xf32> to vector<16xf32>
      %get3A_17 = arith.constant 16 : index
      %get3A_18 = tpu.vector_load %arg8[%get3A_17] {strides = array<i32>} : memref<512xf32, #tpu.memory_space<vmem>>, vector<16xf32>,
      %get3A_19 = vector.shape_cast %get3A_18 : vector<16xf32> to vector<16xf32>
      %mul3A_20 = arith.mulf %get3A_16, %get3A_19 : vector<16xf32>
      %add3A_21 = arith.addf %add3A_12, %mul3A_20 : vector<16xf32>
      %add3A_22 = arith.addf %add3A_13, %get3A_19 : vector<16xf32>
      %get3A_23 = arith.constant 32 : index
      %get3A_24 = tpu.vector_load %arg6[%get3A_23] {strides = array<i32>} : memref<512xf32, #tpu.memory_space<vmem>>, vector<16xf32>,
      %get3A_25 = vector.shape_cast %get3A_24 : vector<16xf32> to vector<16xf32>
      %get3A_26 = arith.constant 32 : index
      %get3A_27 = tpu.vector_load %arg8[%get3A_26] {strides = array<i32>} : memref<512xf32, #tpu.memory_space<vmem>>, vector<16xf32>,
      %get3A_28 = vector.shape_cast %get3A_27 : vector<16xf32> to vector<16xf32>
      %mul3A_29 = arith.mulf %get3A_25, %get3A_28 : vector<16xf32>
      %add3A_30 = arith.addf %add3A_21, %mul3A_29 : vector<16xf32>
      %add3A_31 = arith.addf %add3A_22, %get3A_28 : vector<16xf32>
      %get3A_32 = arith.constant 48 : index
      %get3A_33 = tpu.vector_load %arg6[%get3A_32] {strides = array<i32>} : memref<512xf32, #tpu.memory_space<vmem>>, vector<16xf32>,
      %get3A_34 = vector.shape_cast %get3A_33 : vector<16xf32> to vector<16xf32>
      %get3A_35 = arith.constant 48 : index
      %get3A_36 = tpu.vector_load %arg8[%get3A_35] {strides = array<i32>} : memref<512xf32, #tpu.memory_space<vmem>>, vector<16xf32>,
      %get3A_37 = vector.shape_cast %get3A_36 : vector<16xf32> to vector<16xf32>
      %mul3A_38 = arith.mulf %get3A_34, %get3A_37 : vector<16xf32>
      %add3A_39 = arith.addf %add3A_30, %mul3A_38 : vector<16xf32>
      %add3A_40 = arith.addf %add3A_31, %get3A_37 : vector<16xf32>
      %get3A_41 = arith.constant 64 : index
      %get3A_42 = tpu.vector_load %arg6[%get3A_41] {strides = array<i32>} : memref<512xf32, #tpu.memory_space<vmem>>, vector<16xf32>,
      %get3A_43 = vector.shape_cast %get3A_42 : vector<16xf32> to vector<16xf32>
      %get3A_44 = arith.constant 64 : index
      %get3A_45 = tpu.vector_load %arg8[%get3A_44] {strides = array<i32>} : memref<512xf32, #tpu.memory_space<vmem>>, vector<16xf32>,
      %get3A_46 = vector.shape_cast %get3A_45 : vector<16xf32> to vector<16xf32>
      %mul3A_47 = arith.mulf %get3A_43, %get3A_46 : vector<16xf32>
      %add3A_48 = arith.addf %add3A_39, %mul3A_47 : vector<16xf32>
      %add3A_49 = arith.addf %add3A_40, %get3A_46 : vector<16xf32>
      %get3A_50 = arith.constant 80 : index
      %get3A_51 = tpu.vector_load %arg6[%get3A_50] {strides = array<i32>} : memref<512xf32, #tpu.memory_space<vmem>>, vector<16xf32>,
      %get3A_52 = vector.shape_cast %get3A_51 : vector<16xf32> to vector<16xf32>
      %get3A_53 = arith.constant 80 : index
      %get3A_54 = tpu.vector_load %arg8[%get3A_53] {strides = array<i32>} : memref<512xf32, #tpu.memory_space<vmem>>, vector<16xf32>,
      %get3A_55 = vector.shape_cast %get3A_54 : vector<16xf32> to vector<16xf32>
      %mul3A_56 = arith.mulf %get3A_52, %get3A_55 : vector<16xf32>
      %add3A_57 = arith.addf %add3A_48, %mul3A_56 : vector<16xf32>
      %add3A_58 = arith.addf %add3A_49, %get3A_55 : vector<16xf32>
      %get3A_59 = arith.constant 96 : index
      %get3A_60 = tpu.vector_load %arg6[%get3A_59] {strides = array<i32>} : memref<512xf32, #tpu.memory_space<vmem>>, vector<16xf32>,
      %get3A_61 = vector.shape_cast %get3A_60 : vector<16xf32> to vector<16xf32>
      %get3A_62 = arith.constant 96 : index
      %get3A_63 = tpu.vector_load %arg8[%get3A_62] {strides = array<i32>} : memref<512xf32, #tpu.memory_space<vmem>>, vector<16xf32>,
      %get3A_64 = vector.shape_cast %get3A_63 : vector<16xf32> to vector<16xf32>
      %mul3A_65 = arith.mulf %get3A_61, %get3A_64 : vector<16xf32>
      %add3A_66 = arith.addf %add3A_57, %mul3A_65 : vector<16xf32>
      %add3A_67 = arith.addf %add3A_58, %get3A_64 : vector<16xf32>
      %get3A_68 = arith.constant 112 : index
      %get3A_69 = tpu.vector_load %arg6[%get3A_68] {strides = array<i32>} : memref<512xf32, #tpu.memory_space<vmem>>, vector<16xf32>,
      %get3A_70 = vector.shape_cast %get3A_69 : vector<16xf32> to vector<16xf32>
      %get3A_71 = arith.constant 112 : index
      %get3A_72 = tpu.vector_load %arg8[%get3A_71] {strides = array<i32>} : memref<512xf32, #tpu.memory_space<vmem>>, vector<16xf32>,
      %get3A_73 = vector.shape_cast %get3A_72 : vector<16xf32> to vector<16xf32>
      %mul3A_74 = arith.mulf %get3A_70, %get3A_73 : vector<16xf32>
      %add3A_75 = arith.addf %add3A_66, %mul3A_74 : vector<16xf32>
      %add3A_76 = arith.addf %add3A_67, %get3A_73 : vector<16xf32>
      %get3A_77 = arith.constant 128 : index
      %get3A_78 = tpu.vector_load %arg6[%get3A_77] {strides = array<i32>} : memref<512xf32, #tpu.memory_space<vmem>>, vector<16xf32>,
      %get3A_79 = vector.shape_cast %get3A_78 : vector<16xf32> to vector<16xf32>
      %get3A_80 = arith.constant 128 : index
      %get3A_81 = tpu.vector_load %arg8[%get3A_80] {strides = array<i32>} : memref<512xf32, #tpu.memory_space<vmem>>, vector<16xf32>,
      %get3A_82 = vector.shape_cast %get3A_81 : vector<16xf32> to vector<16xf32>
      %mul3A_83 = arith.mulf %get3A_79, %get3A_82 : vector<16xf32>
      %add3A_84 = arith.addf %add3A_75, %mul3A_83 : vector<16xf32>
      %add3A_85 = arith.addf %add3A_76, %get3A_82 : vector<16xf32>
      %get3A_86 = arith.constant 144 : index
      %get3A_87 = tpu.vector_load %arg6[%get3A_86] {strides = array<i32>} : memref<512xf32, #tpu.memory_space<vmem>>, vector<16xf32>,
      %get3A_88 = vector.shape_cast %get3A_87 : vector<16xf32> to vector<16xf32>
      %get3A_89 = arith.constant 144 : index
      %get3A_90 = tpu.vector_load %arg8[%get3A_89] {strides = array<i32>} : memref<512xf32, #tpu.memory_space<vmem>>, vector<16xf32>,
      %get3A_91 = vector.shape_cast %get3A_90 : vector<16xf32> to vector<16xf32>
      %mul3A_92 = arith.mulf %get3A_88, %get3A_91 : vector<16xf32>
      %add3A_93 = arith.addf %add3A_84, %mul3A_92 : vector<16xf32>
      %add3A_94 = arith.addf %add3A_85, %get3A_91 : vector<16xf32>
      %get3A_95 = arith.constant 160 : index
      %get3A_96 = tpu.vector_load %arg6[%get3A_95] {strides = array<i32>} : memref<512xf32, #tpu.memory_space<vmem>>, vector<16xf32>,
      %get3A_97 = vector.shape_cast %get3A_96 : vector<16xf32> to vector<16xf32>
      %get3A_98 = arith.constant 160 : index
      %get3A_99 = tpu.vector_load %arg8[%get3A_98] {strides = array<i32>} : memref<512xf32, #tpu.memory_space<vmem>>, vector<16xf32>,
      %get3A_100 = vector.shape_cast %get3A_99 : vector<16xf32> to vector<16xf32>
      %mul3A_101 = arith.mulf %get3A_97, %get3A_100 : vector<16xf32>
      %add3A_102 = arith.addf %add3A_93, %mul3A_101 : vector<16xf32>
      %add3A_103 = arith.addf %add3A_94, %get3A_100 : vector<16xf32>
      %get3A_104 = arith.constant 176 : index
      %get3A_105 = tpu.vector_load %arg6[%get3A_104] {strides = array<i32>} : memref<512xf32, #tpu.memory_space<vmem>>, vector<16xf32>,
      %get3A_106 = vector.shape_cast %get3A_105 : vector<16xf32> to vector<16xf32>
      %get3A_107 = arith.constant 176 : index
      %get3A_108 = tpu.vector_load %arg8[%get3A_107] {strides = array<i32>} : memref<512xf32, #tpu.memory_space<vmem>>, vector<16xf32>,
      %get3A_109 = vector.shape_cast %get3A_108 : vector<16xf32> to vector<16xf32>
      %mul3A_110 = arith.mulf %get3A_106, %get3A_109 : vector<16xf32>
      %add3A_111 = arith.addf %add3A_102, %mul3A_110 : vector<16xf32>
      %add3A_112 = arith.addf %add3A_103, %get3A_109 : vector<16xf32>
      %get3A_113 = arith.constant 192 : index
      %get3A_114 = tpu.vector_load %arg6[%get3A_113] {strides = array<i32>} : memref<512xf32, #tpu.memory_space<vmem>>, vector<16xf32>,
      %get3A_115 = vector.shape_cast %get3A_114 : vector<16xf32> to vector<16xf32>
      %get3A_116 = arith.constant 192 : index
      %get3A_117 = tpu.vector_load %arg8[%get3A_116] {strides = array<i32>} : memref<512xf32, #tpu.memory_space<vmem>>, vector<16xf32>,
      %get3A_118 = vector.shape_cast %get3A_117 : vector<16xf32> to vector<16xf32>
      %mul3A_119 = arith.mulf %get3A_115, %get3A_118 : vector<16xf32>
      %add3A_120 = arith.addf %add3A_111, %mul3A_119 : vector<16xf32>
      %add3A_121 = arith.addf %add3A_112, %get3A_118 : vector<16xf32>
      %get3A_122 = arith.constant 208 : index
      %get3A_123 = tpu.vector_load %arg6[%get3A_122] {strides = array<i32>} : memref<512xf32, #tpu.memory_space<vmem>>, vector<16xf32>,
      %get3A_124 = vector.shape_cast %get3A_123 : vector<16xf32> to vector<16xf32>
      %get3A_125 = arith.constant 208 : index
      %get3A_126 = tpu.vector_load %arg8[%get3A_125] {strides = array<i32>} : memref<512xf32, #tpu.memory_space<vmem>>, vector<16xf32>,
      %get3A_127 = vector.shape_cast %get3A_126 : vector<16xf32> to vector<16xf32>
      %mul3A_128 = arith.mulf %get3A_124, %get3A_127 : vector<16xf32>
      %add3A_129 = arith.addf %add3A_120, %mul3A_128 : vector<16xf32>
      %add3A_130 = arith.addf %add3A_121, %get3A_127 : vector<16xf32>
      %get3A_131 = arith.constant 224 : index
      %get3A_132 = tpu.vector_load %arg6[%get3A_131] {strides = array<i32>} : memref<512xf32, #tpu.memory_space<vmem>>, vector<16xf32>,
      %get3A_133 = vector.shape_cast %get3A_132 : vector<16xf32> to vector<16xf32>
      %get3A_134 = arith.constant 224 : index
      %get3A_135 = tpu.vector_load %arg8[%get3A_134] {strides = array<i32>} : memref<512xf32, #tpu.memory_space<vmem>>, vector<16xf32>,
      %get3A_136 = vector.shape_cast %get3A_135 : vector<16xf32> to vector<16xf32>
      %mul3A_137 = arith.mulf %get3A_133, %get3A_136 : vector<16xf32>
      %add3A_138 = arith.addf %add3A_129, %mul3A_137 : vector<16xf32>
      %add3A_139 = arith.addf %add3A_130, %get3A_136 : vector<16xf32>
      %get3A_140 = arith.constant 240 : index
      %get3A_141 = tpu.vector_load %arg6[%get3A_140] {strides = array<i32>} : memref<512xf32, #tpu.memory_space<vmem>>, vector<16xf32>,
      %get3A_142 = vector.shape_cast %get3A_141 : vector<16xf32> to vector<16xf32>
      %get3A_143 = arith.constant 240 : index
      %get3A_144 = tpu.vector_load %arg8[%get3A_143] {strides = array<i32>} : memref<512xf32, #tpu.memory_space<vmem>>, vector<16xf32>,
      %get3A_145 = vector.shape_cast %get3A_144 : vector<16xf32> to vector<16xf32>
      %mul3A_146 = arith.mulf %get3A_142, %get3A_145 : vector<16xf32>
      %add3A_147 = arith.addf %add3A_138, %mul3A_146 : vector<16xf32>
      %add3A_148 = arith.addf %add3A_139, %get3A_145 : vector<16xf32>
      %get3A_149 = arith.constant 256 : index
      %get3A_150 = tpu.vector_load %arg6[%get3A_149] {strides = array<i32>} : memref<512xf32, #tpu.memory_space<vmem>>, vector<16xf32>,
      %get3A_151 = vector.shape_cast %get3A_150 : vector<16xf32> to vector<16xf32>
      %get3A_152 = arith.constant 256 : index
      %get3A_153 = tpu.vector_load %arg8[%get3A_152] {strides = array<i32>} : memref<512xf32, #tpu.memory_space<vmem>>, vector<16xf32>,
      %get3A_154 = vector.shape_cast %get3A_153 : vector<16xf32> to vector<16xf32>
      %mul3A_155 = arith.mulf %get3A_151, %get3A_154 : vector<16xf32>
      %add3A_156 = arith.addf %add3A_147, %mul3A_155 : vector<16xf32>
      %add3A_157 = arith.addf %add3A_148, %get3A_154 : vector<16xf32>
      %get3A_158 = arith.constant 272 : index
      %get3A_159 = tpu.vector_load %arg6[%get3A_158] {strides = array<i32>} : memref<512xf32, #tpu.memory_space<vmem>>, vector<16xf32>,
      %get3A_160 = vector.shape_cast %get3A_159 : vector<16xf32> to vector<16xf32>
      %get3A_161 = arith.constant 272 : index
      %get3A_162 = tpu.vector_load %arg8[%get3A_161] {strides = array<i32>} : memref<512xf32, #tpu.memory_space<vmem>>, vector<16xf32>,
      %get3A_163 = vector.shape_cast %get3A_162 : vector<16xf32> to vector<16xf32>
      %mul3A_164 = arith.mulf %get3A_160, %get3A_163 : vector<16xf32>
      %add3A_165 = arith.addf %add3A_156, %mul3A_164 : vector<16xf32>
      %add3A_166 = arith.addf %add3A_157, %get3A_163 : vector<16xf32>
      %get3A_167 = arith.constant 288 : index
      %get3A_168 = tpu.vector_load %arg6[%get3A_167] {strides = array<i32>} : memref<512xf32, #tpu.memory_space<vmem>>, vector<16xf32>,
      %get3A_169 = vector.shape_cast %get3A_168 : vector<16xf32> to vector<16xf32>
      %get3A_170 = arith.constant 288 : index
      %get3A_171 = tpu.vector_load %arg8[%get3A_170] {strides = array<i32>} : memref<512xf32, #tpu.memory_space<vmem>>, vector<16xf32>,
      %get3A_172 = vector.shape_cast %get3A_171 : vector<16xf32> to vector<16xf32>
      %mul3A_173 = arith.mulf %get3A_169, %get3A_172 : vector<16xf32>
      %add3A_174 = arith.addf %add3A_165, %mul3A_173 : vector<16xf32>
      %add3A_175 = arith.addf %add3A_166, %get3A_172 : vector<16xf32>
      %get3A_176 = arith.constant 304 : index
      %get3A_177 = tpu.vector_load %arg6[%get3A_176] {strides = array<i32>} : memref<512xf32, #tpu.memory_space<vmem>>, vector<16xf32>,
      %get3A_178 = vector.shape_cast %get3A_177 : vector<16xf32> to vector<16xf32>
      %get3A_179 = arith.constant 304 : index
      %get3A_180 = tpu.vector_load %arg8[%get3A_179] {strides = array<i32>} : memref<512xf32, #tpu.memory_space<vmem>>, vector<16xf32>,
      %get3A_181 = vector.shape_cast %get3A_180 : vector<16xf32> to vector<16xf32>
      %mul3A_182 = arith.mulf %get3A_178, %get3A_181 : vector<16xf32>
      %add3A_183 = arith.addf %add3A_174, %mul3A_182 : vector<16xf32>
      %add3A_184 = arith.addf %add3A_175, %get3A_181 : vector<16xf32>
      %get3A_185 = arith.constant 320 : index
      %get3A_186 = tpu.vector_load %arg6[%get3A_185] {strides = array<i32>} : memref<512xf32, #tpu.memory_space<vmem>>, vector<16xf32>,
      %get3A_187 = vector.shape_cast %get3A_186 : vector<16xf32> to vector<16xf32>
      %get3A_188 = arith.constant 320 : index
      %get3A_189 = tpu.vector_load %arg8[%get3A_188] {strides = array<i32>} : memref<512xf32, #tpu.memory_space<vmem>>, vector<16xf32>,
      %get3A_190 = vector.shape_cast %get3A_189 : vector<16xf32> to vector<16xf32>
      %mul3A_191 = arith.mulf %get3A_187, %get3A_190 : vector<16xf32>
      %add3A_192 = arith.addf %add3A_183, %mul3A_191 : vector<16xf32>
      %add3A_193 = arith.addf %add3A_184, %get3A_190 : vector<16xf32>
      %get3A_194 = arith.constant 336 : index
      %get3A_195 = tpu.vector_load %arg6[%get3A_194] {strides = array<i32>} : memref<512xf32, #tpu.memory_space<vmem>>, vector<16xf32>,
      %get3A_196 = vector.shape_cast %get3A_195 : vector<16xf32> to vector<16xf32>
      %get3A_197 = arith.constant 336 : index
      %get3A_198 = tpu.vector_load %arg8[%get3A_197] {strides = array<i32>} : memref<512xf32, #tpu.memory_space<vmem>>, vector<16xf32>,
      %get3A_199 = vector.shape_cast %get3A_198 : vector<16xf32> to vector<16xf32>
      %mul3A_200 = arith.mulf %get3A_196, %get3A_199 : vector<16xf32>
      %add3A_201 = arith.addf %add3A_192, %mul3A_200 : vector<16xf32>
      %add3A_202 = arith.addf %add3A_193, %get3A_199 : vector<16xf32>
      %get3A_203 = arith.constant 352 : index
      %get3A_204 = tpu.vector_load %arg6[%get3A_203] {strides = array<i32>} : memref<512xf32, #tpu.memory_space<vmem>>, vector<16xf32>,
      %get3A_205 = vector.shape_cast %get3A_204 : vector<16xf32> to vector<16xf32>
      %get3A_206 = arith.constant 352 : index
      %get3A_207 = tpu.vector_load %arg8[%get3A_206] {strides = array<i32>} : memref<512xf32, #tpu.memory_space<vmem>>, vector<16xf32>,
      %get3A_208 = vector.shape_cast %get3A_207 : vector<16xf32> to vector<16xf32>
      %mul3A_209 = arith.mulf %get3A_205, %get3A_208 : vector<16xf32>
      %add3A_210 = arith.addf %add3A_201, %mul3A_209 : vector<16xf32>
      %add3A_211 = arith.addf %add3A_202, %get3A_208 : vector<16xf32>
      %get3A_212 = arith.constant 368 : index
      %get3A_213 = tpu.vector_load %arg6[%get3A_212] {strides = array<i32>} : memref<512xf32, #tpu.memory_space<vmem>>, vector<16xf32>,
      %get3A_214 = vector.shape_cast %get3A_213 : vector<16xf32> to vector<16xf32>
      %get3A_215 = arith.constant 368 : index
      %get3A_216 = tpu.vector_load %arg8[%get3A_215] {strides = array<i32>} : memref<512xf32, #tpu.memory_space<vmem>>, vector<16xf32>,
      %get3A_217 = vector.shape_cast %get3A_216 : vector<16xf32> to vector<16xf32>
      %mul3A_218 = arith.mulf %get3A_214, %get3A_217 : vector<16xf32>
      %add3A_219 = arith.addf %add3A_210, %mul3A_218 : vector<16xf32>
      %add3A_220 = arith.addf %add3A_211, %get3A_217 : vector<16xf32>
      %get3A_221 = arith.constant 384 : index
      %get3A_222 = tpu.vector_load %arg6[%get3A_221] {strides = array<i32>} : memref<512xf32, #tpu.memory_space<vmem>>, vector<16xf32>,
      %get3A_223 = vector.shape_cast %get3A_222 : vector<16xf32> to vector<16xf32>
      %get3A_224 = arith.constant 384 : index
      %get3A_225 = tpu.vector_load %arg8[%get3A_224] {strides = array<i32>} : memref<512xf32, #tpu.memory_space<vmem>>, vector<16xf32>,
      %get3A_226 = vector.shape_cast %get3A_225 : vector<16xf32> to vector<16xf32>
      %mul3A_227 = arith.mulf %get3A_223, %get3A_226 : vector<16xf32>
      %add3A_228 = arith.addf %add3A_219, %mul3A_227 : vector<16xf32>
      %add3A_229 = arith.addf %add3A_220, %get3A_226 : vector<16xf32>
      %get3A_230 = arith.constant 400 : index
      %get3A_231 = tpu.vector_load %arg6[%get3A_230] {strides = array<i32>} : memref<512xf32, #tpu.memory_space<vmem>>, vector<16xf32>,
      %get3A_232 = vector.shape_cast %get3A_231 : vector<16xf32> to vector<16xf32>
      %get3A_233 = arith.constant 400 : index
      %get3A_234 = tpu.vector_load %arg8[%get3A_233] {strides = array<i32>} : memref<512xf32, #tpu.memory_space<vmem>>, vector<16xf32>,
      %get3A_235 = vector.shape_cast %get3A_234 : vector<16xf32> to vector<16xf32>
      %mul3A_236 = arith.mulf %get3A_232, %get3A_235 : vector<16xf32>
      %add3A_237 = arith.addf %add3A_228, %mul3A_236 : vector<16xf32>
      %add3A_238 = arith.addf %add3A_229, %get3A_235 : vector<16xf32>
      %get3A_239 = arith.constant 416 : index
      %get3A_240 = tpu.vector_load %arg6[%get3A_239] {strides = array<i32>} : memref<512xf32, #tpu.memory_space<vmem>>, vector<16xf32>,
      %get3A_241 = vector.shape_cast %get3A_240 : vector<16xf32> to vector<16xf32>
      %get3A_242 = arith.constant 416 : index
      %get3A_243 = tpu.vector_load %arg8[%get3A_242] {strides = array<i32>} : memref<512xf32, #tpu.memory_space<vmem>>, vector<16xf32>,
      %get3A_244 = vector.shape_cast %get3A_243 : vector<16xf32> to vector<16xf32>
      %mul3A_245 = arith.mulf %get3A_241, %get3A_244 : vector<16xf32>
      %add3A_246 = arith.addf %add3A_237, %mul3A_245 : vector<16xf32>
      %add3A_247 = arith.addf %add3A_238, %get3A_244 : vector<16xf32>
      %get3A_248 = arith.constant 432 : index
      %get3A_249 = tpu.vector_load %arg6[%get3A_248] {strides = array<i32>} : memref<512xf32, #tpu.memory_space<vmem>>, vector<16xf32>,
      %get3A_250 = vector.shape_cast %get3A_249 : vector<16xf32> to vector<16xf32>
      %get3A_251 = arith.constant 432 : index
      %get3A_252 = tpu.vector_load %arg8[%get3A_251] {strides = array<i32>} : memref<512xf32, #tpu.memory_space<vmem>>, vector<16xf32>,
      %get3A_253 = vector.shape_cast %get3A_252 : vector<16xf32> to vector<16xf32>
      %mul3A_254 = arith.mulf %get3A_250, %get3A_253 : vector<16xf32>
      %add3A_255 = arith.addf %add3A_246, %mul3A_254 : vector<16xf32>
      %add3A_256 = arith.addf %add3A_247, %get3A_253 : vector<16xf32>
      %get3A_257 = arith.constant 448 : index
      %get3A_258 = tpu.vector_load %arg6[%get3A_257] {strides = array<i32>} : memref<512xf32, #tpu.memory_space<vmem>>, vector<16xf32>,
      %get3A_259 = vector.shape_cast %get3A_258 : vector<16xf32> to vector<16xf32>
      %get3A_260 = arith.constant 448 : index
      %get3A_261 = tpu.vector_load %arg8[%get3A_260] {strides = array<i32>} : memref<512xf32, #tpu.memory_space<vmem>>, vector<16xf32>,
      %get3A_262 = vector.shape_cast %get3A_261 : vector<16xf32> to vector<16xf32>
      %mul3A_263 = arith.mulf %get3A_259, %get3A_262 : vector<16xf32>
      %add3A_264 = arith.addf %add3A_255, %mul3A_263 : vector<16xf32>
      %add3A_265 = arith.addf %add3A_256, %get3A_262 : vector<16xf32>
      %get3A_266 = arith.constant 464 : index
      %get3A_267 = tpu.vector_load %arg6[%get3A_266] {strides = array<i32>} : memref<512xf32, #tpu.memory_space<vmem>>, vector<16xf32>,
      %get3A_268 = vector.shape_cast %get3A_267 : vector<16xf32> to vector<16xf32>
      %get3A_269 = arith.constant 464 : index
      %get3A_270 = tpu.vector_load %arg8[%get3A_269] {strides = array<i32>} : memref<512xf32, #tpu.memory_space<vmem>>, vector<16xf32>,
      %get3A_271 = vector.shape_cast %get3A_270 : vector<16xf32> to vector<16xf32>
      %mul3A_272 = arith.mulf %get3A_268, %get3A_271 : vector<16xf32>
      %add3A_273 = arith.addf %add3A_264, %mul3A_272 : vector<16xf32>
      %add3A_274 = arith.addf %add3A_265, %get3A_271 : vector<16xf32>
      %get3A_275 = arith.constant 480 : index
      %get3A_276 = tpu.vector_load %arg6[%get3A_275] {strides = array<i32>} : memref<512xf32, #tpu.memory_space<vmem>>, vector<16xf32>,
      %get3A_277 = vector.shape_cast %get3A_276 : vector<16xf32> to vector<16xf32>
      %get3A_278 = arith.constant 480 : index
      %get3A_279 = tpu.vector_load %arg8[%get3A_278] {strides = array<i32>} : memref<512xf32, #tpu.memory_space<vmem>>, vector<16xf32>,
      %get3A_280 = vector.shape_cast %get3A_279 : vector<16xf32> to vector<16xf32>
      %mul3A_281 = arith.mulf %get3A_277, %get3A_280 : vector<16xf32>
      %add3A_282 = arith.addf %add3A_273, %mul3A_281 : vector<16xf32>
      %add3A_283 = arith.addf %add3A_274, %get3A_280 : vector<16xf32>
      %get3A_284 = arith.constant 496 : index
      %get3A_285 = tpu.vector_load %arg6[%get3A_284] {strides = array<i32>} : memref<512xf32, #tpu.memory_space<vmem>>, vector<16xf32>,
      %get3A_286 = vector.shape_cast %get3A_285 : vector<16xf32> to vector<16xf32>
      %get3A_287 = arith.constant 496 : index
      %get3A_288 = tpu.vector_load %arg8[%get3A_287] {strides = array<i32>} : memref<512xf32, #tpu.memory_space<vmem>>, vector<16xf32>,
      %get3A_289 = vector.shape_cast %get3A_288 : vector<16xf32> to vector<16xf32>
      %mul3A_290 = arith.mulf %get3A_286, %get3A_289 : vector<16xf32>
      %add3A_291 = arith.addf %add3A_282, %mul3A_290 : vector<16xf32>
      %add3A_292 = arith.addf %add3A_283, %get3A_289 : vector<16xf32>
      %slice3A = vector.extract_strided_slice %add3A_291 {offsets = [0], sizes = [1], strides = [1]} : vector<16xf32> to vector<1xf32>
      %squeeze3A = vector.extract %slice3A[0] : f32 from vector<1xf32>
      %slice3A_293 = vector.extract_strided_slice %add3A_292 {offsets = [0], sizes = [1], strides = [1]} : vector<16xf32> to vector<1xf32>
      %squeeze3A_294 = vector.extract %slice3A_293[0] : f32 from vector<1xf32>
      %slice3A_295 = vector.extract_strided_slice %add3A_291 {offsets = [1], sizes = [1], strides = [1]} : vector<16xf32> to vector<1xf32>
      %squeeze3A_296 = vector.extract %slice3A_295[0] : f32 from vector<1xf32>
      %add3A_297 = arith.addf %squeeze3A, %squeeze3A_296 : f32
      %slice3A_298 = vector.extract_strided_slice %add3A_292 {offsets = [1], sizes = [1], strides = [1]} : vector<16xf32> to vector<1xf32>
      %squeeze3A_299 = vector.extract %slice3A_298[0] : f32 from vector<1xf32>
      %add3A_300 = arith.addf %squeeze3A_294, %squeeze3A_299 : f32
      %slice3A_301 = vector.extract_strided_slice %add3A_291 {offsets = [2], sizes = [1], strides = [1]} : vector<16xf32> to vector<1xf32>
      %squeeze3A_302 = vector.extract %slice3A_301[0] : f32 from vector<1xf32>
      %add3A_303 = arith.addf %add3A_297, %squeeze3A_302 : f32
      %slice3A_304 = vector.extract_strided_slice %add3A_292 {offsets = [2], sizes = [1], strides = [1]} : vector<16xf32> to vector<1xf32>
      %squeeze3A_305 = vector.extract %slice3A_304[0] : f32 from vector<1xf32>
      %add3A_306 = arith.addf %add3A_300, %squeeze3A_305 : f32
      %slice3A_307 = vector.extract_strided_slice %add3A_291 {offsets = [3], sizes = [1], strides = [1]} : vector<16xf32> to vector<1xf32>
      %squeeze3A_308 = vector.extract %slice3A_307[0] : f32 from vector<1xf32>
      %add3A_309 = arith.addf %add3A_303, %squeeze3A_308 : f32
      %slice3A_310 = vector.extract_strided_slice %add3A_292 {offsets = [3], sizes = [1], strides = [1]} : vector<16xf32> to vector<1xf32>
      %squeeze3A_311 = vector.extract %slice3A_310[0] : f32 from vector<1xf32>
      %add3A_312 = arith.addf %add3A_306, %squeeze3A_311 : f32
      %slice3A_313 = vector.extract_strided_slice %add3A_291 {offsets = [4], sizes = [1], strides = [1]} : vector<16xf32> to vector<1xf32>
      %squeeze3A_314 = vector.extract %slice3A_313[0] : f32 from vector<1xf32>
      %add3A_315 = arith.addf %add3A_309, %squeeze3A_314 : f32
      %slice3A_316 = vector.extract_strided_slice %add3A_292 {offsets = [4], sizes = [1], strides = [1]} : vector<16xf32> to vector<1xf32>
      %squeeze3A_317 = vector.extract %slice3A_316[0] : f32 from vector<1xf32>
      %add3A_318 = arith.addf %add3A_312, %squeeze3A_317 : f32
      %slice3A_319 = vector.extract_strided_slice %add3A_291 {offsets = [5], sizes = [1], strides = [1]} : vector<16xf32> to vector<1xf32>
      %squeeze3A_320 = vector.extract %slice3A_319[0] : f32 from vector<1xf32>
      %add3A_321 = arith.addf %add3A_315, %squeeze3A_320 : f32
      %slice3A_322 = vector.extract_strided_slice %add3A_292 {offsets = [5], sizes = [1], strides = [1]} : vector<16xf32> to vector<1xf32>
      %squeeze3A_323 = vector.extract %slice3A_322[0] : f32 from vector<1xf32>
      %add3A_324 = arith.addf %add3A_318, %squeeze3A_323 : f32
      %slice3A_325 = vector.extract_strided_slice %add3A_291 {offsets = [6], sizes = [1], strides = [1]} : vector<16xf32> to vector<1xf32>
      %squeeze3A_326 = vector.extract %slice3A_325[0] : f32 from vector<1xf32>
      %add3A_327 = arith.addf %add3A_321, %squeeze3A_326 : f32
      %slice3A_328 = vector.extract_strided_slice %add3A_292 {offsets = [6], sizes = [1], strides = [1]} : vector<16xf32> to vector<1xf32>
      %squeeze3A_329 = vector.extract %slice3A_328[0] : f32 from vector<1xf32>
      %add3A_330 = arith.addf %add3A_324, %squeeze3A_329 : f32
      %slice3A_331 = vector.extract_strided_slice %add3A_291 {offsets = [7], sizes = [1], strides = [1]} : vector<16xf32> to vector<1xf32>
      %squeeze3A_332 = vector.extract %slice3A_331[0] : f32 from vector<1xf32>
      %add3A_333 = arith.addf %add3A_327, %squeeze3A_332 : f32
      %slice3A_334 = vector.extract_strided_slice %add3A_292 {offsets = [7], sizes = [1], strides = [1]} : vector<16xf32> to vector<1xf32>
      %squeeze3A_335 = vector.extract %slice3A_334[0] : f32 from vector<1xf32>
      %add3A_336 = arith.addf %add3A_330, %squeeze3A_335 : f32
      %slice3A_337 = vector.extract_strided_slice %add3A_291 {offsets = [8], sizes = [1], strides = [1]} : vector<16xf32> to vector<1xf32>
      %squeeze3A_338 = vector.extract %slice3A_337[0] : f32 from vector<1xf32>
      %add3A_339 = arith.addf %add3A_333, %squeeze3A_338 : f32
      %slice3A_340 = vector.extract_strided_slice %add3A_292 {offsets = [8], sizes = [1], strides = [1]} : vector<16xf32> to vector<1xf32>
      %squeeze3A_341 = vector.extract %slice3A_340[0] : f32 from vector<1xf32>
      %add3A_342 = arith.addf %add3A_336, %squeeze3A_341 : f32
      %slice3A_343 = vector.extract_strided_slice %add3A_291 {offsets = [9], sizes = [1], strides = [1]} : vector<16xf32> to vector<1xf32>
      %squeeze3A_344 = vector.extract %slice3A_343[0] : f32 from vector<1xf32>
      %add3A_345 = arith.addf %add3A_339, %squeeze3A_344 : f32
      %slice3A_346 = vector.extract_strided_slice %add3A_292 {offsets = [9], sizes = [1], strides = [1]} : vector<16xf32> to vector<1xf32>
      %squeeze3A_347 = vector.extract %slice3A_346[0] : f32 from vector<1xf32>
      %add3A_348 = arith.addf %add3A_342, %squeeze3A_347 : f32
      %slice3A_349 = vector.extract_strided_slice %add3A_291 {offsets = [10], sizes = [1], strides = [1]} : vector<16xf32> to vector<1xf32>
      %squeeze3A_350 = vector.extract %slice3A_349[0] : f32 from vector<1xf32>
      %add3A_351 = arith.addf %add3A_345, %squeeze3A_350 : f32
      %slice3A_352 = vector.extract_strided_slice %add3A_292 {offsets = [10], sizes = [1], strides = [1]} : vector<16xf32> to vector<1xf32>
      %squeeze3A_353 = vector.extract %slice3A_352[0] : f32 from vector<1xf32>
      %add3A_354 = arith.addf %add3A_348, %squeeze3A_353 : f32
      %slice3A_355 = vector.extract_strided_slice %add3A_291 {offsets = [11], sizes = [1], strides = [1]} : vector<16xf32> to vector<1xf32>
      %squeeze3A_356 = vector.extract %slice3A_355[0] : f32 from vector<1xf32>
      %add3A_357 = arith.addf %add3A_351, %squeeze3A_356 : f32
      %slice3A_358 = vector.extract_strided_slice %add3A_292 {offsets = [11], sizes = [1], strides = [1]} : vector<16xf32> to vector<1xf32>
      %squeeze3A_359 = vector.extract %slice3A_358[0] : f32 from vector<1xf32>
      %add3A_360 = arith.addf %add3A_354, %squeeze3A_359 : f32
      %slice3A_361 = vector.extract_strided_slice %add3A_291 {offsets = [12], sizes = [1], strides = [1]} : vector<16xf32> to vector<1xf32>
      %squeeze3A_362 = vector.extract %slice3A_361[0] : f32 from vector<1xf32>
      %add3A_363 = arith.addf %add3A_357, %squeeze3A_362 : f32
      %slice3A_364 = vector.extract_strided_slice %add3A_292 {offsets = [12], sizes = [1], strides = [1]} : vector<16xf32> to vector<1xf32>
      %squeeze3A_365 = vector.extract %slice3A_364[0] : f32 from vector<1xf32>
      %add3A_366 = arith.addf %add3A_360, %squeeze3A_365 : f32
      %slice3A_367 = vector.extract_strided_slice %add3A_291 {offsets = [13], sizes = [1], strides = [1]} : vector<16xf32> to vector<1xf32>
      %squeeze3A_368 = vector.extract %slice3A_367[0] : f32 from vector<1xf32>
      %add3A_369 = arith.addf %add3A_363, %squeeze3A_368 : f32
      %slice3A_370 = vector.extract_strided_slice %add3A_292 {offsets = [13], sizes = [1], strides = [1]} : vector<16xf32> to vector<1xf32>
      %squeeze3A_371 = vector.extract %slice3A_370[0] : f32 from vector<1xf32>
      %add3A_372 = arith.addf %add3A_366, %squeeze3A_371 : f32
      %slice3A_373 = vector.extract_strided_slice %add3A_291 {offsets = [14], sizes = [1], strides = [1]} : vector<16xf32> to vector<1xf32>
      %squeeze3A_374 = vector.extract %slice3A_373[0] : f32 from vector<1xf32>
      %add3A_375 = arith.addf %add3A_369, %squeeze3A_374 : f32
      %slice3A_376 = vector.extract_strided_slice %add3A_292 {offsets = [14], sizes = [1], strides = [1]} : vector<16xf32> to vector<1xf32>
      %squeeze3A_377 = vector.extract %slice3A_376[0] : f32 from vector<1xf32>
      %add3A_378 = arith.addf %add3A_372, %squeeze3A_377 : f32
      %slice3A_379 = vector.extract_strided_slice %add3A_291 {offsets = [15], sizes = [1], strides = [1]} : vector<16xf32> to vector<1xf32>
      %squeeze3A_380 = vector.extract %slice3A_379[0] : f32 from vector<1xf32>
      %add3A_381 = arith.addf %add3A_375, %squeeze3A_380 : f32
      %slice3A_382 = vector.extract_strided_slice %add3A_292 {offsets = [15], sizes = [1], strides = [1]} : vector<16xf32> to vector<1xf32>
      %squeeze3A_383 = vector.extract %slice3A_382[0] : f32 from vector<1xf32>
      %add3A_384 = arith.addf %add3A_378, %squeeze3A_383 : f32
      %iota3A = tpu.iota {dimensions = array<i32: 0>} : vector<16xi32>
      %eq3A = arith.constant 0 : i32
      %eq3A_385 = vector.broadcast %eq3A : i32 to vector<16xi32>
      %eq3A_386 = arith.cmpi eq, %iota3A, %eq3A_385 : vector<16xi32>
      %jit3A = arith.constant 0.000000e+00 : f32
      %broadcast_in_dim3A_387 = vector.broadcast %add3A_381 : f32 to vector<16xf32>
      %broadcast_in_dim3A_388 = vector.broadcast %jit3A : f32 to vector<16xf32>
      %select_n3A = arith.select %eq3A_386, %broadcast_in_dim3A_387, %broadcast_in_dim3A_388 : vector<16xi1>, vector<16xf32>
      %eq3A_389 = arith.constant 0 : i32
      %eq3A_390 = vector.broadcast %eq3A_389 : i32 to vector<16xi32>
      %eq3A_391 = arith.cmpi eq, %iota3A, %eq3A_390 : vector<16xi32>
      %jit3A_392 = arith.constant 1.000000e+00 : f32
      %broadcast_in_dim3A_393 = vector.broadcast %add3A_384 : f32 to vector<16xf32>
      %broadcast_in_dim3A_394 = vector.broadcast %jit3A_392 : f32 to vector<16xf32>
      %select_n3A_395 = arith.select %eq3A_391, %broadcast_in_dim3A_393, %broadcast_in_dim3A_394 : vector<16xi1>, vector<16xf32>
      %div3A = arith.divf %select_n3A, %select_n3A_395 : vector<16xf32>
      %swap3A = arith.constant 0 : index
      %swap3A_396 = tpu.vector_load %arg9[%swap3A] {strides = array<i32>} : memref<16xf32, #tpu.memory_space<vmem>>, vector<16xf32>,
      %swap3A_397 = vector.shape_cast %swap3A_396 : vector<16xf32> to vector<16xf32>
      %swap3A_398 = vector.shape_cast %div3A : vector<16xf32> to vector<16xf32>
      tpu.vector_store %arg9[%swap3A], %swap3A_398 {strides = array<i32>} : memref<16xf32, #tpu.memory_space<vmem>>, vector<16xf32>,
      "tpu.region"() ({
        %run_scoped3A = tpu.sem_alloc : memref<!tpu.dma_semaphore, #tpu.memory_space<semaphore_mem>>
        %dma_start3A = arith.constant 0 : i32
        %dma_start3A_399 = tpu.memref_slice %arg5[%add3A, %dma_start3A] : memref<16x16xf32, #tpu.memory_space<hbm>> -> memref<1x16xf32, #tpu.memory_space<hbm>>
        %dma_start3A_400 = tpu.memref_squeeze %dma_start3A_399 : memref<1x16xf32, #tpu.memory_space<hbm>> -> memref<16xf32, #tpu.memory_space<hbm>>
        %dma_start3A_401 = arith.constant 0 : i32
        %dma_start3A_402 = tpu.memref_slice %arg5[%add3A, %dma_start3A_401] : memref<16x16xf32, #tpu.memory_space<hbm>> -> memref<1x16xf32, #tpu.memory_space<hbm>>
        %dma_start3A_403 = tpu.memref_squeeze %dma_start3A_402 : memref<1x16xf32, #tpu.memory_space<hbm>> -> memref<16xf32, #tpu.memory_space<hbm>>
        tpu.enqueue_dma source(%arg9 : memref<16xf32, #tpu.memory_space<vmem>>) target(%dma_start3A_403 : memref<16xf32, #tpu.memory_space<hbm>>) target_semaphore(%run_scoped3A : memref<!tpu.dma_semaphore, #tpu.memory_space<semaphore_mem>>)
        %dma_wait3A = arith.constant 0 : i32
        %dma_wait3A_404 = tpu.memref_slice %arg5[%add3A, %dma_wait3A] : memref<16x16xf32, #tpu.memory_space<hbm>> -> memref<1x16xf32, #tpu.memory_space<hbm>>
        %dma_wait3A_405 = tpu.memref_squeeze %dma_wait3A_404 : memref<1x16xf32, #tpu.memory_space<hbm>> -> memref<16xf32, #tpu.memory_space<hbm>>
        %dma_wait3A_406 = arith.constant 0 : i32
        %dma_wait3A_407 = tpu.memref_slice %arg5[%add3A, %dma_wait3A_406] : memref<16x16xf32, #tpu.memory_space<hbm>> -> memref<1x16xf32, #tpu.memory_space<hbm>>
        %dma_wait3A_408 = tpu.memref_squeeze %dma_wait3A_407 : memref<1x16xf32, #tpu.memory_space<hbm>> -> memref<16xf32, #tpu.memory_space<hbm>>
        tpu.wait_dma2 semaphore(%run_scoped3A : memref<!tpu.dma_semaphore, #tpu.memory_space<semaphore_mem>>) src(%arg9 : memref<16xf32, #tpu.memory_space<vmem>>) dst(%dma_wait3A_408 : memref<16xf32, #tpu.memory_space<hbm>>)
        tpu.yield
      }) : () -> ()
    } else {
    }
    return
  }
}

module attributes {stable_mosaic.version = 14 : i64} {
  func.func @_nlp_body(%arg0: i32, %arg1: memref<2048x256xf32, #tpu.memory_space<vmem>>, %arg2: memref<256x10000xbf16, #tpu.memory_space<vmem>>, %arg3: memref<1x10000xf32, #tpu.memory_space<vmem>>, %arg4: memref<2048x1xi32, #tpu.memory_space<vmem>>, %arg5: memref<2048x1xf32, #tpu.memory_space<vmem>>, %arg6: memref<2048x1xf32, #tpu.memory_space<vmem>>, %arg7: memref<2048x1xf32, #tpu.memory_space<vmem>>, %arg8: memref<2048x1xf32, #tpu.memory_space<vmem>>, %arg9: memref<2x128xf32, #tpu.memory_space<vmem>>, %arg10: memref<8x128xf32, #tpu.memory_space<vmem>>) attributes {dimension_semantics = [#tpu.dimension_semantics<arbitrary>], iteration_bounds = array<i64: 2>, scalar_prefetch = 0 : i64, scratch_operands = 1 : i64, tpu.core_type = #tpu.core_type<tc>, window_params = [{transform_indices = @transform_0, window_bounds = array<i64: 2048, 256>}, {pipeline_mode = #tpu.pipeline_mode<synchronous>, transform_indices = @transform_1, window_bounds = array<i64: 256, 10000>}, {pipeline_mode = #tpu.pipeline_mode<synchronous>, transform_indices = @transform_2, window_bounds = array<i64: 1, 10000>}, {transform_indices = @transform_3, window_bounds = array<i64: 2048, 1>}, {transform_indices = @transform_4, window_bounds = array<i64: 2048, 1>}, {transform_indices = @transform_5, window_bounds = array<i64: 2048, 1>}, {transform_indices = @transform_6, window_bounds = array<i64: 2048, 1>}, {transform_indices = @transform_7, window_bounds = array<i64: 2048, 1>}, {pipeline_mode = #tpu.pipeline_mode<synchronous>, transform_indices = @transform_8, window_bounds = array<i64: 2, 128>}]} {
    %get3A = arith.constant 0 : index
    %get3A_0 = arith.constant 0 : index
    %get3A_1 = vector.load %arg1[%get3A, %get3A_0] : memref<2048x256xf32, #tpu.memory_space<vmem>>, vector<2048x256xf32>
    %mul3A = arith.constant 1.44269502 : f32
    %mul3A_2 = vector.broadcast %mul3A : f32 to vector<2048x256xf32>
    %mul3A_3 = arith.mulf %get3A_1, %mul3A_2 : vector<2048x256xf32>
    %convert_element_type3A = arith.truncf %mul3A_3 : vector<2048x256xf32> to vector<2048x256xbf16>
    %get3A_4 = arith.constant 0 : index
    %get3A_5 = arith.constant 0 : index
    %get3A_6 = vector.load %arg4[%get3A_4, %get3A_5] : memref<2048x1xi32, #tpu.memory_space<vmem>>, vector<2048x1xi32>
    %broadcast_in_dim3A = arith.constant 0.000000e+00 : f32
    %broadcast_in_dim3A_7 = vector.broadcast %broadcast_in_dim3A : f32 to vector<2048x1xf32>
    %broadcast_in_dim3A_8 = arith.constant 0.000000e+00 : f32
    %broadcast_in_dim3A_9 = vector.broadcast %broadcast_in_dim3A_8 : f32 to vector<2048x1xf32>
    %get3A_10 = arith.constant 0 : index
    %get3A_11 = arith.constant 0 : index
    %get3A_12 = vector.load %arg2[%get3A_10, %get3A_11] : memref<256x10000xbf16, #tpu.memory_space<vmem>>, vector<256x2048xbf16>
    %dot_general3A = arith.constant dense<0.000000e+00> : vector<2048x2048xf32>
    %dot_general3A_13 = tpu.matmul %convert_element_type3A, %get3A_12, %dot_general3A {dimension_numbers = #tpu.dot_dimension_numbers<[1], [0], [0], [1], [0, 0, 1, 1], [], []>, transpose_lhs_hint = false} : vector<2048x256xbf16>, vector<256x2048xbf16>, vector<2048x2048xf32> -> vector<2048x2048xf32>
    %get3A_14 = arith.constant 0 : index
    %get3A_15 = arith.constant 0 : index
    %get3A_16 = vector.load %arg3[%get3A_14, %get3A_15] : memref<1x10000xf32, #tpu.memory_space<vmem>>, vector<1x2048xf32>
    %add3A = vector.broadcast %get3A_16 : vector<1x2048xf32> to vector<2048x2048xf32>
    %add3A_17 = arith.addf %dot_general3A_13, %add3A : vector<2048x2048xf32>
    %iota3A = tpu.iota {dimensions = array<i32: 1>} : vector<2048x2048xi32>
    %exp23A = math.exp2 %add3A_17 : vector<2048x2048xf32>
    %reduce_sum3A = arith.constant dense<0.000000e+00> : vector<2048xf32>
    %reduce_sum3A_18 = vector.multi_reduction <add>, %exp23A, %reduce_sum3A [1] : vector<2048x2048xf32> to vector<2048xf32>
    %broadcast_in_dim3A_19 = vector.shape_cast %reduce_sum3A_18 : vector<2048xf32> to vector<2048x1xf32>
    %add3A_20 = arith.addf %broadcast_in_dim3A_7, %broadcast_in_dim3A_19 : vector<2048x1xf32>
    %sub3A = arith.constant 0 : i32
    %sub3A_21 = vector.broadcast %sub3A : i32 to vector<2048x1xi32>
    %sub3A_22 = arith.subi %get3A_6, %sub3A_21 : vector<2048x1xi32>
    %eq3A = vector.broadcast %sub3A_22 : vector<2048x1xi32> to vector<2048x2048xi32>
    %eq3A_23 = arith.cmpi eq, %iota3A, %eq3A : vector<2048x2048xi32>
    %jit3A = arith.constant 0.000000e+00 : f32
    %broadcast_in_dim3A_24 = vector.broadcast %jit3A : f32 to vector<2048x2048xf32>
    %select_n3A = arith.select %eq3A_23, %add3A_17, %broadcast_in_dim3A_24 : vector<2048x2048xi1>, vector<2048x2048xf32>
    %reduce_sum3A_25 = arith.constant dense<0.000000e+00> : vector<2048xf32>
    %reduce_sum3A_26 = vector.multi_reduction <add>, %select_n3A, %reduce_sum3A_25 [1] : vector<2048x2048xf32> to vector<2048xf32>
    %broadcast_in_dim3A_27 = vector.shape_cast %reduce_sum3A_26 : vector<2048xf32> to vector<2048x1xf32>
    %add3A_28 = arith.addf %broadcast_in_dim3A_9, %broadcast_in_dim3A_27 : vector<2048x1xf32>
    %get3A_29 = arith.constant 0 : index
    %get3A_30 = arith.constant 2048 : index
    %get3A_31 = vector.load %arg2[%get3A_29, %get3A_30] : memref<256x10000xbf16, #tpu.memory_space<vmem>>, vector<256x2048xbf16>
    %dot_general3A_32 = arith.constant dense<0.000000e+00> : vector<2048x2048xf32>
    %dot_general3A_33 = tpu.matmul %convert_element_type3A, %get3A_31, %dot_general3A_32 {dimension_numbers = #tpu.dot_dimension_numbers<[1], [0], [0], [1], [0, 0, 1, 1], [], []>, transpose_lhs_hint = false} : vector<2048x256xbf16>, vector<256x2048xbf16>, vector<2048x2048xf32> -> vector<2048x2048xf32>
    %get3A_34 = arith.constant 0 : index
    %get3A_35 = arith.constant 2048 : index
    %get3A_36 = vector.load %arg3[%get3A_34, %get3A_35] : memref<1x10000xf32, #tpu.memory_space<vmem>>, vector<1x2048xf32>
    %add3A_37 = vector.broadcast %get3A_36 : vector<1x2048xf32> to vector<2048x2048xf32>
    %add3A_38 = arith.addf %dot_general3A_33, %add3A_37 : vector<2048x2048xf32>
    %iota3A_39 = tpu.iota {dimensions = array<i32: 1>} : vector<2048x2048xi32>
    %exp23A_40 = math.exp2 %add3A_38 : vector<2048x2048xf32>
    %reduce_sum3A_41 = arith.constant dense<0.000000e+00> : vector<2048xf32>
    %reduce_sum3A_42 = vector.multi_reduction <add>, %exp23A_40, %reduce_sum3A_41 [1] : vector<2048x2048xf32> to vector<2048xf32>
    %broadcast_in_dim3A_43 = vector.shape_cast %reduce_sum3A_42 : vector<2048xf32> to vector<2048x1xf32>
    %add3A_44 = arith.addf %add3A_20, %broadcast_in_dim3A_43 : vector<2048x1xf32>
    %sub3A_45 = arith.constant 2048 : i32
    %sub3A_46 = vector.broadcast %sub3A_45 : i32 to vector<2048x1xi32>
    %sub3A_47 = arith.subi %get3A_6, %sub3A_46 : vector<2048x1xi32>
    %eq3A_48 = vector.broadcast %sub3A_47 : vector<2048x1xi32> to vector<2048x2048xi32>
    %eq3A_49 = arith.cmpi eq, %iota3A_39, %eq3A_48 : vector<2048x2048xi32>
    %jit3A_50 = arith.constant 0.000000e+00 : f32
    %broadcast_in_dim3A_51 = vector.broadcast %jit3A_50 : f32 to vector<2048x2048xf32>
    %select_n3A_52 = arith.select %eq3A_49, %add3A_38, %broadcast_in_dim3A_51 : vector<2048x2048xi1>, vector<2048x2048xf32>
    %reduce_sum3A_53 = arith.constant dense<0.000000e+00> : vector<2048xf32>
    %reduce_sum3A_54 = vector.multi_reduction <add>, %select_n3A_52, %reduce_sum3A_53 [1] : vector<2048x2048xf32> to vector<2048xf32>
    %broadcast_in_dim3A_55 = vector.shape_cast %reduce_sum3A_54 : vector<2048xf32> to vector<2048x1xf32>
    %add3A_56 = arith.addf %add3A_28, %broadcast_in_dim3A_55 : vector<2048x1xf32>
    %get3A_57 = arith.constant 0 : index
    %get3A_58 = arith.constant 4096 : index
    %get3A_59 = vector.load %arg2[%get3A_57, %get3A_58] : memref<256x10000xbf16, #tpu.memory_space<vmem>>, vector<256x2048xbf16>
    %dot_general3A_60 = arith.constant dense<0.000000e+00> : vector<2048x2048xf32>
    %dot_general3A_61 = tpu.matmul %convert_element_type3A, %get3A_59, %dot_general3A_60 {dimension_numbers = #tpu.dot_dimension_numbers<[1], [0], [0], [1], [0, 0, 1, 1], [], []>, transpose_lhs_hint = false} : vector<2048x256xbf16>, vector<256x2048xbf16>, vector<2048x2048xf32> -> vector<2048x2048xf32>
    %get3A_62 = arith.constant 0 : index
    %get3A_63 = arith.constant 4096 : index
    %get3A_64 = vector.load %arg3[%get3A_62, %get3A_63] : memref<1x10000xf32, #tpu.memory_space<vmem>>, vector<1x2048xf32>
    %add3A_65 = vector.broadcast %get3A_64 : vector<1x2048xf32> to vector<2048x2048xf32>
    %add3A_66 = arith.addf %dot_general3A_61, %add3A_65 : vector<2048x2048xf32>
    %iota3A_67 = tpu.iota {dimensions = array<i32: 1>} : vector<2048x2048xi32>
    %exp23A_68 = math.exp2 %add3A_66 : vector<2048x2048xf32>
    %reduce_sum3A_69 = arith.constant dense<0.000000e+00> : vector<2048xf32>
    %reduce_sum3A_70 = vector.multi_reduction <add>, %exp23A_68, %reduce_sum3A_69 [1] : vector<2048x2048xf32> to vector<2048xf32>
    %broadcast_in_dim3A_71 = vector.shape_cast %reduce_sum3A_70 : vector<2048xf32> to vector<2048x1xf32>
    %add3A_72 = arith.addf %add3A_44, %broadcast_in_dim3A_71 : vector<2048x1xf32>
    %sub3A_73 = arith.constant 4096 : i32
    %sub3A_74 = vector.broadcast %sub3A_73 : i32 to vector<2048x1xi32>
    %sub3A_75 = arith.subi %get3A_6, %sub3A_74 : vector<2048x1xi32>
    %eq3A_76 = vector.broadcast %sub3A_75 : vector<2048x1xi32> to vector<2048x2048xi32>
    %eq3A_77 = arith.cmpi eq, %iota3A_67, %eq3A_76 : vector<2048x2048xi32>
    %jit3A_78 = arith.constant 0.000000e+00 : f32
    %broadcast_in_dim3A_79 = vector.broadcast %jit3A_78 : f32 to vector<2048x2048xf32>
    %select_n3A_80 = arith.select %eq3A_77, %add3A_66, %broadcast_in_dim3A_79 : vector<2048x2048xi1>, vector<2048x2048xf32>
    %reduce_sum3A_81 = arith.constant dense<0.000000e+00> : vector<2048xf32>
    %reduce_sum3A_82 = vector.multi_reduction <add>, %select_n3A_80, %reduce_sum3A_81 [1] : vector<2048x2048xf32> to vector<2048xf32>
    %broadcast_in_dim3A_83 = vector.shape_cast %reduce_sum3A_82 : vector<2048xf32> to vector<2048x1xf32>
    %add3A_84 = arith.addf %add3A_56, %broadcast_in_dim3A_83 : vector<2048x1xf32>
    %get3A_85 = arith.constant 0 : index
    %get3A_86 = arith.constant 6144 : index
    %get3A_87 = vector.load %arg2[%get3A_85, %get3A_86] : memref<256x10000xbf16, #tpu.memory_space<vmem>>, vector<256x2048xbf16>
    %dot_general3A_88 = arith.constant dense<0.000000e+00> : vector<2048x2048xf32>
    %dot_general3A_89 = tpu.matmul %convert_element_type3A, %get3A_87, %dot_general3A_88 {dimension_numbers = #tpu.dot_dimension_numbers<[1], [0], [0], [1], [0, 0, 1, 1], [], []>, transpose_lhs_hint = false} : vector<2048x256xbf16>, vector<256x2048xbf16>, vector<2048x2048xf32> -> vector<2048x2048xf32>
    %get3A_90 = arith.constant 0 : index
    %get3A_91 = arith.constant 6144 : index
    %get3A_92 = vector.load %arg3[%get3A_90, %get3A_91] : memref<1x10000xf32, #tpu.memory_space<vmem>>, vector<1x2048xf32>
    %add3A_93 = vector.broadcast %get3A_92 : vector<1x2048xf32> to vector<2048x2048xf32>
    %add3A_94 = arith.addf %dot_general3A_89, %add3A_93 : vector<2048x2048xf32>
    %iota3A_95 = tpu.iota {dimensions = array<i32: 1>} : vector<2048x2048xi32>
    %exp23A_96 = math.exp2 %add3A_94 : vector<2048x2048xf32>
    %reduce_sum3A_97 = arith.constant dense<0.000000e+00> : vector<2048xf32>
    %reduce_sum3A_98 = vector.multi_reduction <add>, %exp23A_96, %reduce_sum3A_97 [1] : vector<2048x2048xf32> to vector<2048xf32>
    %broadcast_in_dim3A_99 = vector.shape_cast %reduce_sum3A_98 : vector<2048xf32> to vector<2048x1xf32>
    %add3A_100 = arith.addf %add3A_72, %broadcast_in_dim3A_99 : vector<2048x1xf32>
    %sub3A_101 = arith.constant 6144 : i32
    %sub3A_102 = vector.broadcast %sub3A_101 : i32 to vector<2048x1xi32>
    %sub3A_103 = arith.subi %get3A_6, %sub3A_102 : vector<2048x1xi32>
    %eq3A_104 = vector.broadcast %sub3A_103 : vector<2048x1xi32> to vector<2048x2048xi32>
    %eq3A_105 = arith.cmpi eq, %iota3A_95, %eq3A_104 : vector<2048x2048xi32>
    %jit3A_106 = arith.constant 0.000000e+00 : f32
    %broadcast_in_dim3A_107 = vector.broadcast %jit3A_106 : f32 to vector<2048x2048xf32>
    %select_n3A_108 = arith.select %eq3A_105, %add3A_94, %broadcast_in_dim3A_107 : vector<2048x2048xi1>, vector<2048x2048xf32>
    %reduce_sum3A_109 = arith.constant dense<0.000000e+00> : vector<2048xf32>
    %reduce_sum3A_110 = vector.multi_reduction <add>, %select_n3A_108, %reduce_sum3A_109 [1] : vector<2048x2048xf32> to vector<2048xf32>
    %broadcast_in_dim3A_111 = vector.shape_cast %reduce_sum3A_110 : vector<2048xf32> to vector<2048x1xf32>
    %add3A_112 = arith.addf %add3A_84, %broadcast_in_dim3A_111 : vector<2048x1xf32>
    %get3A_113 = arith.constant 0 : index
    %get3A_114 = arith.constant 8192 : index
    %get3A_115 = vector.load %arg2[%get3A_113, %get3A_114] : memref<256x10000xbf16, #tpu.memory_space<vmem>>, vector<256x1808xbf16>
    %dot_general3A_116 = arith.constant dense<0.000000e+00> : vector<2048x1808xf32>
    %dot_general3A_117 = tpu.matmul %convert_element_type3A, %get3A_115, %dot_general3A_116 {dimension_numbers = #tpu.dot_dimension_numbers<[1], [0], [0], [1], [0, 0, 1, 1], [], []>, transpose_lhs_hint = false} : vector<2048x256xbf16>, vector<256x1808xbf16>, vector<2048x1808xf32> -> vector<2048x1808xf32>
    %get3A_118 = arith.constant 0 : index
    %get3A_119 = arith.constant 8192 : index
    %get3A_120 = vector.load %arg3[%get3A_118, %get3A_119] : memref<1x10000xf32, #tpu.memory_space<vmem>>, vector<1x1808xf32>
    %add3A_121 = vector.broadcast %get3A_120 : vector<1x1808xf32> to vector<2048x1808xf32>
    %add3A_122 = arith.addf %dot_general3A_117, %add3A_121 : vector<2048x1808xf32>
    %iota3A_123 = tpu.iota {dimensions = array<i32: 1>} : vector<2048x1808xi32>
    %exp23A_124 = math.exp2 %add3A_122 : vector<2048x1808xf32>
    %reduce_sum3A_125 = arith.constant dense<0.000000e+00> : vector<2048xf32>
    %reduce_sum3A_126 = vector.multi_reduction <add>, %exp23A_124, %reduce_sum3A_125 [1] : vector<2048x1808xf32> to vector<2048xf32>
    %broadcast_in_dim3A_127 = vector.shape_cast %reduce_sum3A_126 : vector<2048xf32> to vector<2048x1xf32>
    %add3A_128 = arith.addf %add3A_100, %broadcast_in_dim3A_127 : vector<2048x1xf32>
    %sub3A_129 = arith.constant 8192 : i32
    %sub3A_130 = vector.broadcast %sub3A_129 : i32 to vector<2048x1xi32>
    %sub3A_131 = arith.subi %get3A_6, %sub3A_130 : vector<2048x1xi32>
    %eq3A_132 = vector.broadcast %sub3A_131 : vector<2048x1xi32> to vector<2048x1808xi32>
    %eq3A_133 = arith.cmpi eq, %iota3A_123, %eq3A_132 : vector<2048x1808xi32>
    %jit3A_134 = arith.constant 0.000000e+00 : f32
    %broadcast_in_dim3A_135 = vector.broadcast %jit3A_134 : f32 to vector<2048x1808xf32>
    %select_n3A_136 = arith.select %eq3A_133, %add3A_122, %broadcast_in_dim3A_135 : vector<2048x1808xi1>, vector<2048x1808xf32>
    %reduce_sum3A_137 = arith.constant dense<0.000000e+00> : vector<2048xf32>
    %reduce_sum3A_138 = vector.multi_reduction <add>, %select_n3A_136, %reduce_sum3A_137 [1] : vector<2048x1808xf32> to vector<2048xf32>
    %broadcast_in_dim3A_139 = vector.shape_cast %reduce_sum3A_138 : vector<2048xf32> to vector<2048x1xf32>
    %add3A_140 = arith.addf %add3A_112, %broadcast_in_dim3A_139 : vector<2048x1xf32>
    %mul3A_141 = arith.constant 0.693147182 : f32
    %mul3A_142 = vector.broadcast %mul3A_141 : f32 to vector<2048x1xf32>
    %mul3A_143 = arith.mulf %add3A_140, %mul3A_142 : vector<2048x1xf32>
    %log3A = math.log %add3A_128 : vector<2048x1xf32>
    %sub3A_144 = arith.subf %mul3A_143, %log3A : vector<2048x1xf32>
    %get3A_145 = arith.constant 0 : index
    %get3A_146 = arith.constant 0 : index
    %get3A_147 = vector.load %arg7[%get3A_145, %get3A_146] : memref<2048x1xf32, #tpu.memory_space<vmem>>, vector<2048x1xf32>
    %mul3A_148 = arith.mulf %sub3A_144, %get3A_147 : vector<2048x1xf32>
    %swap3A = arith.constant 0 : index
    %swap3A_149 = arith.constant 0 : index
    %swap3A_150 = vector.load %arg8[%swap3A, %swap3A_149] : memref<2048x1xf32, #tpu.memory_space<vmem>>, vector<2048x1xf32>
    tpu.vector_store %arg8[%swap3A, %swap3A_149], %mul3A_148 {strides = array<i32>} : memref<2048x1xf32, #tpu.memory_space<vmem>>, vector<2048x1xf32>,
    %get3A_151 = arith.constant 0 : index
    %get3A_152 = arith.constant 0 : index
    %get3A_153 = vector.load %arg5[%get3A_151, %get3A_152] : memref<2048x1xf32, #tpu.memory_space<vmem>>, vector<2048x1xf32>
    %get3A_154 = arith.constant 0 : index
    %get3A_155 = arith.constant 0 : index
    %get3A_156 = vector.load %arg6[%get3A_154, %get3A_155] : memref<2048x1xf32, #tpu.memory_space<vmem>>, vector<2048x1xf32>
    %iota3A_157 = tpu.iota {dimensions = array<i32: 0>} : vector<8x128xi32>
    %eq3A_158 = arith.constant 0 : i32
    %eq3A_159 = vector.broadcast %eq3A_158 : i32 to vector<8x128xi32>
    %eq3A_160 = arith.cmpi eq, %iota3A_157, %eq3A_159 : vector<8x128xi32>
    %mul3A_161 = arith.mulf %sub3A_144, %get3A_153 : vector<2048x1xf32>
    %reduce_sum3A_162 = vector.shape_cast %mul3A_161 : vector<2048x1xf32> to vector<1x2048x1xf32>
    %reduce_sum3A_163 = arith.constant dense<0.000000e+00> : vector<1xf32>
    %reduce_sum3A_164 = vector.multi_reduction <add>, %reduce_sum3A_162, %reduce_sum3A_163 [1, 2] : vector<1x2048x1xf32> to vector<1xf32>
    %reduce_sum3A_165 = vector.shape_cast %reduce_sum3A_164 : vector<1xf32> to vector<1x1x1xf32>
    %reduce_sum3A_166 = vector.extract %reduce_sum3A_165[0, 0, 0] : f32 from vector<1x1x1xf32>
    %jit3A_167 = arith.constant 0.000000e+00 : f32
    %broadcast_in_dim3A_168 = vector.broadcast %reduce_sum3A_166 : f32 to vector<8x128xf32>
    %broadcast_in_dim3A_169 = vector.broadcast %jit3A_167 : f32 to vector<8x128xf32>
    %select_n3A_170 = arith.select %eq3A_160, %broadcast_in_dim3A_168, %broadcast_in_dim3A_169 : vector<8x128xi1>, vector<8x128xf32>
    %eq3A_171 = arith.constant 1 : i32
    %eq3A_172 = vector.broadcast %eq3A_171 : i32 to vector<8x128xi32>
    %eq3A_173 = arith.cmpi eq, %iota3A_157, %eq3A_172 : vector<8x128xi32>
    %mul3A_174 = arith.mulf %sub3A_144, %get3A_156 : vector<2048x1xf32>
    %reduce_sum3A_175 = vector.shape_cast %mul3A_174 : vector<2048x1xf32> to vector<1x2048x1xf32>
    %reduce_sum3A_176 = arith.constant dense<0.000000e+00> : vector<1xf32>
    %reduce_sum3A_177 = vector.multi_reduction <add>, %reduce_sum3A_175, %reduce_sum3A_176 [1, 2] : vector<1x2048x1xf32> to vector<1xf32>
    %reduce_sum3A_178 = vector.shape_cast %reduce_sum3A_177 : vector<1xf32> to vector<1x1x1xf32>
    %reduce_sum3A_179 = vector.extract %reduce_sum3A_178[0, 0, 0] : f32 from vector<1x1x1xf32>
    %jit3A_180 = arith.constant 0.000000e+00 : f32
    %broadcast_in_dim3A_181 = vector.broadcast %reduce_sum3A_179 : f32 to vector<8x128xf32>
    %broadcast_in_dim3A_182 = vector.broadcast %jit3A_180 : f32 to vector<8x128xf32>
    %select_n3A_183 = arith.select %eq3A_173, %broadcast_in_dim3A_181, %broadcast_in_dim3A_182 : vector<8x128xi1>, vector<8x128xf32>
    %add3A_184 = arith.addf %select_n3A_170, %select_n3A_183 : vector<8x128xf32>
    %eq3A_185 = arith.constant 2 : i32
    %eq3A_186 = vector.broadcast %eq3A_185 : i32 to vector<8x128xi32>
    %eq3A_187 = arith.cmpi eq, %iota3A_157, %eq3A_186 : vector<8x128xi32>
    %reduce_sum3A_188 = vector.shape_cast %get3A_153 : vector<2048x1xf32> to vector<1x2048x1xf32>
    %reduce_sum3A_189 = arith.constant dense<0.000000e+00> : vector<1xf32>
    %reduce_sum3A_190 = vector.multi_reduction <add>, %reduce_sum3A_188, %reduce_sum3A_189 [1, 2] : vector<1x2048x1xf32> to vector<1xf32>
    %reduce_sum3A_191 = vector.shape_cast %reduce_sum3A_190 : vector<1xf32> to vector<1x1x1xf32>
    %reduce_sum3A_192 = vector.extract %reduce_sum3A_191[0, 0, 0] : f32 from vector<1x1x1xf32>
    %jit3A_193 = arith.constant 0.000000e+00 : f32
    %broadcast_in_dim3A_194 = vector.broadcast %reduce_sum3A_192 : f32 to vector<8x128xf32>
    %broadcast_in_dim3A_195 = vector.broadcast %jit3A_193 : f32 to vector<8x128xf32>
    %select_n3A_196 = arith.select %eq3A_187, %broadcast_in_dim3A_194, %broadcast_in_dim3A_195 : vector<8x128xi1>, vector<8x128xf32>
    %add3A_197 = arith.addf %add3A_184, %select_n3A_196 : vector<8x128xf32>
    %eq3A_198 = arith.constant 3 : i32
    %eq3A_199 = vector.broadcast %eq3A_198 : i32 to vector<8x128xi32>
    %eq3A_200 = arith.cmpi eq, %iota3A_157, %eq3A_199 : vector<8x128xi32>
    %reduce_sum3A_201 = vector.shape_cast %get3A_156 : vector<2048x1xf32> to vector<1x2048x1xf32>
    %reduce_sum3A_202 = arith.constant dense<0.000000e+00> : vector<1xf32>
    %reduce_sum3A_203 = vector.multi_reduction <add>, %reduce_sum3A_201, %reduce_sum3A_202 [1, 2] : vector<1x2048x1xf32> to vector<1xf32>
    %reduce_sum3A_204 = vector.shape_cast %reduce_sum3A_203 : vector<1xf32> to vector<1x1x1xf32>
    %reduce_sum3A_205 = vector.extract %reduce_sum3A_204[0, 0, 0] : f32 from vector<1x1x1xf32>
    %jit3A_206 = arith.constant 0.000000e+00 : f32
    %broadcast_in_dim3A_207 = vector.broadcast %reduce_sum3A_205 : f32 to vector<8x128xf32>
    %broadcast_in_dim3A_208 = vector.broadcast %jit3A_206 : f32 to vector<8x128xf32>
    %select_n3A_209 = arith.select %eq3A_200, %broadcast_in_dim3A_207, %broadcast_in_dim3A_208 : vector<8x128xi1>, vector<8x128xf32>
    %add3A_210 = arith.addf %add3A_197, %select_n3A_209 : vector<8x128xf32>
    %eq3A_211 = arith.constant 0 : i32
    %eq3A_212 = arith.cmpi eq, %arg0, %eq3A_211 : i32
    %convert_element_type3A_213 = arith.extui %eq3A_212 : i1 to i32
    %cond3A = arith.constant 0 : i32
    %cond3A_214 = arith.cmpi ne, %convert_element_type3A_213, %cond3A : i32
    scf.if %cond3A_214 {
      %swap3A_224 = arith.constant 0 : index
      %swap3A_225 = arith.constant 0 : index
      %swap3A_226 = vector.load %arg10[%swap3A_224, %swap3A_225] : memref<8x128xf32, #tpu.memory_space<vmem>>, vector<8x128xf32>
      tpu.vector_store %arg10[%swap3A_224, %swap3A_225], %add3A_210 {strides = array<i32>} : memref<8x128xf32, #tpu.memory_space<vmem>>, vector<8x128xf32>,
    } else {
    }
    %ne3A = arith.constant 0 : i32
    %ne3A_215 = arith.cmpi ne, %arg0, %ne3A : i32
    %convert_element_type3A_216 = arith.extui %ne3A_215 : i1 to i32
    %cond3A_217 = arith.constant 0 : i32
    %cond3A_218 = arith.cmpi ne, %convert_element_type3A_216, %cond3A_217 : i32
    scf.if %cond3A_218 {
      %get3A_224 = arith.constant 0 : index
      %get3A_225 = arith.constant 0 : index
      %get3A_226 = vector.load %arg10[%get3A_224, %get3A_225] : memref<8x128xf32, #tpu.memory_space<vmem>>, vector<8x128xf32>
      %add3A_227 = arith.addf %get3A_226, %add3A_210 : vector<8x128xf32>
      %swap3A_228 = arith.constant 0 : index
      %swap3A_229 = arith.constant 0 : index
      %swap3A_230 = vector.load %arg10[%swap3A_228, %swap3A_229] : memref<8x128xf32, #tpu.memory_space<vmem>>, vector<8x128xf32>
      tpu.vector_store %arg10[%swap3A_228, %swap3A_229], %add3A_227 {strides = array<i32>} : memref<8x128xf32, #tpu.memory_space<vmem>>, vector<8x128xf32>,
    } else {
    }
    %eq3A_219 = arith.constant 1 : i32
    %eq3A_220 = arith.cmpi eq, %arg0, %eq3A_219 : i32
    %convert_element_type3A_221 = arith.extui %eq3A_220 : i1 to i32
    %cond3A_222 = arith.constant 0 : i32
    %cond3A_223 = arith.cmpi ne, %convert_element_type3A_221, %cond3A_222 : i32
    scf.if %cond3A_223 {
      %get3A_224 = arith.constant 0 : index
      %get3A_225 = arith.constant 0 : index
      %get3A_226 = vector.load %arg10[%get3A_224, %get3A_225] : memref<8x128xf32, #tpu.memory_space<vmem>>, vector<8x128xf32>
      %slice3A = vector.extract_strided_slice %get3A_226 {offsets = [0, 0], sizes = [2, 128], strides = [1, 1]} : vector<8x128xf32> to vector<2x128xf32>
      %slice3A_227 = vector.extract_strided_slice %get3A_226 {offsets = [2, 0], sizes = [2, 128], strides = [1, 1]} : vector<8x128xf32> to vector<2x128xf32>
      %div3A = arith.divf %slice3A, %slice3A_227 : vector<2x128xf32>
      %neg3A = arith.constant 0.000000e+00 : f32
      %neg3A_228 = vector.broadcast %neg3A : f32 to vector<2x128xf32>
      %neg3A_229 = arith.subf %neg3A_228, %div3A : vector<2x128xf32>
      %exp3A = math.exp %neg3A_229 : vector<2x128xf32>
      %swap3A_230 = arith.constant 0 : index
      %swap3A_231 = arith.constant 0 : index
      %swap3A_232 = vector.load %arg9[%swap3A_230, %swap3A_231] : memref<2x128xf32, #tpu.memory_space<vmem>>, vector<2x128xf32>
      tpu.vector_store %arg9[%swap3A_230, %swap3A_231], %exp3A {strides = array<i32>} : memref<2x128xf32, #tpu.memory_space<vmem>>, vector<2x128xf32>,
    } else {
    }
    return
  }
  func.func @transform_0(%arg0: i32) -> (i32, i32) {
    %c0_i32 = arith.constant 0 : i32
    %c0_i32_0 = arith.constant 0 : i32
    return %arg0, %c0_i32 : i32, i32
  }
  func.func @transform_1(%arg0: i32) -> (i32, i32) {
    %c0_i32 = arith.constant 0 : i32
    %c0_i32_0 = arith.constant 0 : i32
    %c0_i32_1 = arith.constant 0 : i32
    return %c0_i32, %c0_i32_0 : i32, i32
  }
  func.func @transform_2(%arg0: i32) -> (i32, i32) {
    %c0_i32 = arith.constant 0 : i32
    %c0_i32_0 = arith.constant 0 : i32
    %c0_i32_1 = arith.constant 0 : i32
    return %c0_i32, %c0_i32_0 : i32, i32
  }
  func.func @transform_3(%arg0: i32) -> (i32, i32) {
    %c0_i32 = arith.constant 0 : i32
    %c0_i32_0 = arith.constant 0 : i32
    return %arg0, %c0_i32 : i32, i32
  }
  func.func @transform_4(%arg0: i32) -> (i32, i32) {
    %c0_i32 = arith.constant 0 : i32
    %c0_i32_0 = arith.constant 0 : i32
    return %arg0, %c0_i32 : i32, i32
  }
  func.func @transform_5(%arg0: i32) -> (i32, i32) {
    %c0_i32 = arith.constant 0 : i32
    %c0_i32_0 = arith.constant 0 : i32
    return %arg0, %c0_i32 : i32, i32
  }
  func.func @transform_6(%arg0: i32) -> (i32, i32) {
    %c0_i32 = arith.constant 0 : i32
    %c0_i32_0 = arith.constant 0 : i32
    return %arg0, %c0_i32 : i32, i32
  }
  func.func @transform_7(%arg0: i32) -> (i32, i32) {
    %c0_i32 = arith.constant 0 : i32
    %c0_i32_0 = arith.constant 0 : i32
    return %arg0, %c0_i32 : i32, i32
  }
  func.func @transform_8(%arg0: i32) -> (i32, i32) {
    %c0_i32 = arith.constant 0 : i32
    %c0_i32_0 = arith.constant 0 : i32
    %c0_i32_1 = arith.constant 0 : i32
    return %c0_i32, %c0_i32_0 : i32, i32
  }
}

</mosaic_0001>

<sc_bundles>
// kernel: kernel.4.cloned.1.call-start
scs
__scs_entry_jumppad:
0x0: {  	(pc) =	sbr.rel $0x88, $3  }
0x1: {  	(tag) =	ssettag $0x0;
	lr =	simm.s32 $0x1  }
0x2: {  	[smem:$0x3F98] =	sst lr;
	_ =	strace $0xD0000000  }
0x3: {  	_ = 	snop  }
0x4: {  	_ = 	snop  }
0x5: {  	_ = 	snop  }
0x6: {  	_ = 	snop  }
0x7: {  	_ = 	snop  }
__scs_overlays_trampoline_lowered:
0x8: {  	[smem:$0x3FA7] =	sst s0  }
0x9: {  	[smem:$0x3FA8] =	sst s1  }
0xa: {  	[smem:$0x3FA9] =	sst s2  }
0xb: {  	[smem:$0x3FAA] =	sst s3  }
0xc: {  	[smem:$0x3FAB] =	sst s4  }
0xd: {  	[smem:$0x3FAC] =	sst s5  }
0xe: {  	[smem:$0x3FAD] =	sst s6  }
0xf: {  	[smem:$0x3FAE] =	sst s7  }
0x10: {  	[smem:$0x3FAF] =	sst s8  }
0x11: {  	[smem:$0x3FB0] =	sst s9;
	s0 =	simm.s32 @!p0 $0x0  }
0x12: {  	s1 =	sld [smem:$0x3F96];
	s0 =	simm.s32 @p0 $0x1  }
0x13: {  	[smem:$0x3FB1] =	sst s0;
	s0 =	simm.s32 @!p1 $0x0  }
0x14: {  	s2 =	sld [smem:$0x3F95];
	s0 =	simm.s32 @p1 $0x1  }
0x15: {  	[smem:$0x3FB2] =	sst s0;
	s0 =	simm.s32 @!p2 $0x0  }
0x16: {  	s3 =	sld [smem:$0x3FDB];
	s0 =	simm.s32 @p2 $0x1  }
0x17: {  	s4 =	simm.s32 $0x1BF5;
	[smem:$0x3FB4] =	sst s0  }
0x18: {  	s0 =	sld [smem:$0x3F97];
	_ =	swait.ge [sflag:s4], $0x0  }
0x19: {  	s7 =	sld [smem:$0x3F98]  }
0x1a: {  	s8 =	sadd.s32 $0xFFFFE003, lr  }
0x1b: {  	s9 =	sadd.s32 $0xFFFFFEF7, lr;
	s5 =	simm.s32 $0xFFFFFFFF;
	p2 =	slt.u32 s8, $0xFFFFF086  }
0x1c: {  	p1 =	slt.u32 s9, $0xF7A;
	s5 =	simm.s32 @!p2 $0x0  }
0x1d: {  	s5 =	simm.s32 @p1 $0x1;
	p0 =	seq.s32 s7, s2  }
0x1e: {  	s7 =	smul.u32 @!p0 $0xF7A, s2;
	p2 =	seq.s32 @!p0 s5, $0x0  }
0x1f: {  	s9 =	smul.u32 $0xF7A, s1;
	s8 =	simm.s32 @!p0 $0x1BF5;
	p2 =	por !p2, p0  }
0x20: {  	[sflag:s8] =	ssyncset.s32 @!p0 $0xFFFFF086;
	s6 =	sadd.s32 @!p0 s3, s7;
	s7 =	simm.s32 @!p0 $0x108  }
0x21: {  	s3 =	sadd.s32 s3, s9;
	s6 =	sadd.s32 @!p0 $0x88, s6;
	s7 =	simm.s32 @p2 $0x1082  }
0x22: {  	[simem:s7], [sflag:s8] =	dma.local @!p0 [hbm:s6], $0xF7A  }
0x23: {  	s9 =	sor.u32 $0xD0000000, s2;
	s6 =	simm.s32 $0x108;
	_ =	swait.ge @!p0 [sflag:s8], $0x0  }
0x24: {  	s3 =	sadd.s32 $0x88, s3;
	s6 =	simm.s32 @!p1 $0x1082;
	[sflag:s4] =	ssyncset.s32 $0xFFFFF086  }
0x25: {  	[simem:s6], [sflag:s4] =	dma.local [hbm:s3], $0xF7A  }
0x26: {  	[smem:$0x3F98] =	sst s1;
	(tag) =	ssettag s2;
	_ =	strace s9  }
0x27: {  	s1 =	sld [smem:$0x3FA8]  }
0x28: {  	s2 =	sld [smem:$0x3FA9]  }
0x29: {  	s4 =	sld [smem:$0x3FAB]  }
0x2a: {  	p0 =	seq.s32 s5, $0x0;
	s5 =	sld [smem:$0x3FAC]  }
0x2b: {  	s6 =	sld [smem:$0x3FAD]  }
0x2c: {  	s7 =	sld [smem:$0x3FAE]  }
0x2d: {  	s3 =	simm.s32 $0x108;
	s8 =	sld [smem:$0x3FAF]  }
0x2e: {  	s3 =	simm.s32 @!p0 $0x1082;
	s9 =	sld [smem:$0x3FB0]  }
0x2f: {  	lr =	sadd.s32 s0, s3;
	s0 =	sld [smem:$0x3FA7]  }
0x30: {  	s3 =	sld [smem:$0x3FAA]  }
0x31: {  	[smem:$0x3FB3] =	sst s10  }
0x32: {  	s10 =	sld [smem:$0x3FB1];
	_ =	sdelay $0x3  }
0x33: {  	p0 =	seq.s32 s10, $0x1;
	s10 =	sld [smem:$0x3FB3];
	_ =	sdelay $0x3  }
0x34: {  	[smem:$0x3FB3] =	sst s10  }
0x35: {  	s10 =	sld [smem:$0x3FB2];
	_ =	sdelay $0x3  }
0x36: {  	p1 =	seq.s32 s10, $0x1;
	s10 =	sld [smem:$0x3FB3];
	_ =	sdelay $0x3  }
0x37: {  	[smem:$0x3FB3] =	sst s10  }
0x38: {  	s10 =	sld [smem:$0x3FB4]  }
0x39: {  	_ = 	snop;
	(pc) =	sbr.ind lr, $3  }
0x3a: {  	_ = 	snop  }
0x3b: {  	_ = 	snop  }
0x3c: {  	p2 =	seq.s32 s10, $0x1;
	s10 =	sld [smem:$0x3FB3]  }
0x3d: {  	_ =	shalt  }
0x3e: {  	_ =	shalt  }
0x3f: {  	_ =	shalt  }
0x40: {  	_ =	shalt  }
0x41: {  	_ =	shalt  }
0x42: {  	_ =	shalt  }
0x43: {  	_ =	shalt  }
0x44: {  	_ =	shalt  }
0x45: {  	_ =	shalt  }
0x46: {  	_ =	shalt  }
0x47: {  	_ =	shalt  }
0x48: {  	_ =	shalt  }
0x49: {  	_ =	shalt  }
0x4a: {  	_ =	shalt  }
0x4b: {  	_ =	shalt  }
0x4c: {  	_ =	shalt  }
0x4d: {  	_ =	shalt  }
0x4e: {  	_ =	shalt  }
0x4f: {  	_ =	shalt  }
0x50: {  	_ =	shalt  }
0x51: {  	_ =	shalt  }
0x52: {  	_ =	shalt  }
0x53: {  	_ =	shalt  }
0x54: {  	_ =	shalt  }
0x55: {  	_ =	shalt  }
0x56: {  	_ =	shalt  }
0x57: {  	_ =	shalt  }
0x58: {  	_ =	shalt  }
0x59: {  	_ =	shalt  }
0x5a: {  	_ =	shalt  }
0x5b: {  	_ =	shalt  }
0x5c: {  	_ =	shalt  }
0x5d: {  	_ =	shalt  }
0x5e: {  	_ =	shalt  }
0x5f: {  	_ =	shalt  }
0x60: {  	_ =	shalt  }
0x61: {  	_ =	shalt  }
0x62: {  	_ =	shalt  }
0x63: {  	_ =	shalt  }
0x64: {  	_ =	shalt  }
0x65: {  	_ =	shalt  }
0x66: {  	_ =	shalt  }
0x67: {  	_ =	shalt  }
0x68: {  	_ =	shalt  }
0x69: {  	_ =	shalt  }
0x6a: {  	_ =	shalt  }
0x6b: {  	_ =	shalt  }
0x6c: {  	_ =	shalt  }
0x6d: {  	_ =	shalt  }
0x6e: {  	_ =	shalt  }
0x6f: {  	_ =	shalt  }
0x70: {  	_ =	shalt  }
0x71: {  	_ =	shalt  }
0x72: {  	_ =	shalt  }
0x73: {  	_ =	shalt  }
0x74: {  	_ =	shalt  }
0x75: {  	_ =	shalt  }
0x76: {  	_ =	shalt  }
0x77: {  	_ =	shalt  }
0x78: {  	_ =	shalt  }
0x79: {  	_ =	shalt  }
0x7a: {  	_ =	shalt  }
0x7b: {  	_ =	shalt  }
0x7c: {  	_ =	shalt  }
0x7d: {  	_ =	shalt  }
0x7e: {  	_ =	shalt  }
0x7f: {  	_ =	shalt  }
0x80: {  	_ =	shalt  }
0x81: {  	_ =	shalt  }
0x82: {  	_ =	shalt  }
0x83: {  	_ =	shalt  }
0x84: {  	_ =	shalt  }
0x85: {  	_ =	shalt  }
0x86: {  	_ =	shalt  }
0x87: {  	_ =	shalt  }
.Lfunc_end0:
.L_simem_size_0:
called_computation_lowered:
.L_overlay_start_0:
0x88: {  	s2 =	sld [smem:$0x3FD9]  }
0x89: {  	s3 =	sld [smem:$0x3FFE];
	_ =	sdelay $0x1  }
0x8a: {  	s1 =	srdreg.scid  }
0x8b: {  	s0 =	sand.u32 $0x1, s1  }
0x8c: {  	s17 =	sshll.u32 s0, $0xA;
	s2 =	sadd.s32 s3, s2  }
0x8d: {  	s2 =	sadd.s32 s2, s17  }
0x8e: {  	[smem:$0x3FBF] =	sst s2  }
0x8f: {  	_ = 	snop  }
0x90: {  	s2 =	sld [smem:$0x3FC4];
	(tm) =	ssettm $0x1  }
0x91: {  	s18 =	sld [smem:$0x3FFB];
	_ =	sdelay $0x3  }
0x92: {  	_ =	strace s18  }
0x93: {  	s3 =	sld [smem:$0x3FFC];
	_ =	sdelay $0x3  }
0x94: {  	_ =	strace s3  }
0x95: {  	s3 =	sld [smem:$0x3FFD];
	_ =	sdelay $0x3  }
0x96: {  	_ =	strace s3  }
0x97: {  	_ =	strace $0x8FFFFFFF  }
0x98: {  	s19 =	sld [smem:$0x3FDB];
	_ =	sdelay $0x1  }
0x99: {  	s4 =	simm.s32 $_scs_section_size  }
0x9a: {  	s5 =	simm.s32 $_size__tile_overlayer_lowered;
	s6 =	simm.s32 $_tile_overlayer_lowered  }
0x9b: {  	s22 =	simm.s32 $0x1BFF;
	s21 =	sshll.u32 s6, $0x1;
	s3 =	sadd.s32 s4, s19  }
0x9c: {  	s7 =	simm.s32 $0x0;
	s20 =	sshll.u32 s5, $0x1;
	s5 =	sadd.s32 s21, s3  }
0x9d: {  	[timem:s7], [sflag:s22] =	dma.local [hbm:s5], s20  }
0x9e: {  	_ =	swait.ge [sflag:s22], s20  }
0x9f: {  	s4 =	ssub.s32 $0x0, s20;
	[sflag:s22] =	ssyncset.done $0x0  }
0xa0: {  	[sflag:s22] =	ssyncadd.s32 s4;
	_ =	sdelay $0x1  }
0xa1: {  	s23 =	simm.s32 $0x1B8B  }
0xa2: {  	_ =	swait.ge [sflag:s23], $0x1  }
0xa3: {  	[sflag:s23] =	ssyncset.done $0x0  }
0xa4: {  	s25 =	simm.s32 $0x1B8E;
	s24 =	sld [smem:$0x3FFE];
	[sflag:s23] =	ssyncadd.s32 $0xFFFFFFFF  }
0xa5: {  	s26 =	simm.s32 $execute0_lowered;
	[smem:$0x3FD2] =	sst s25  }
0xa6: {  	s5 =	sshll.u32 s26, $0x1;
	_ =	strace $0x80000046;
	[dreg:$0x1] =	wrdreg $0xFFFFFFFF  }
0xa7: {  	s28 =	simm.s32 $_size_execute0_lowered;
	s3 =	sadd.s32 s3, s5;
	[dreg:$0x0] =	wrdreg $0x0  }
0xa8: {  	s5 =	sshll.u32 s28, $0x1;
	[dreg:$0x2] =	wrdreg s3  }
0xa9: {  	[dreg:$0x3] =	wrdreg s5  }
0xaa: {  	[dreg:$0x4] =	wrdreg $0xC0  }
0xab: {  	_ =	task [dreg:s7], $0x5FFFF  }
0xac: {  	[dreg:$0x1] =	wrdreg $0xFFFFFFFF  }
0xad: {  	[dreg:$0x0] =	wrdreg $0x60  }
0xae: {  	[dreg:$0x2] =	wrdreg s24  }
0xaf: {  	[dreg:$0x3] =	wrdreg s2  }
0xb0: {  	[dreg:$0x4] =	wrdreg $0x9  }
0xb1: {  	_ =	task.clear_ibuf [dreg:s7], $0x5FFFF;
	_ =	strace $0x90000046  }
0xb2: {  	s29 =	simm.s32 $0x9;
	_ =	strace $0x80000048  }
0xb3: {  	_ =	swait.ge [sflag:s29], $0x1  }
0xb4: {  	[sflag:s29] =	ssyncadd.s32 $0xFFFFFFFF  }
0xb5: {  	_ =	strace $0x90000048  }
0xb6: {  	_ =	sfence  }
0xb7: {  	s30 =	sld [smem:$0x0];
	_ =	sdelay $0x2  }
0xb8: {  	s31 =	sshll.u32 s1, $0xD;
	s1 =	sshrl.u32 s1, $0x2  }
0xb9: {  	s3 =	sand.u32 $0x4000, s31;
	s1 =	sadd.s32 s1, s30  }
0xba: {  	s0 =	sor.u32 s3, s0;
	s1 =	sshll.u32 s1, $0x11  }
0xbb: {  	s0 =	sor.u32 s1, s0  }
0xbc: {  	s0 =	sadd.s32 $0x8F2B, s0  }
0xbd: {  	[sflag:s0] =	ssyncadd.remote.s32 $0x1  }
0xbe: {  	_ =	sfence.sel $0xFFFF  }
0xbf: {  	[dreg:$0x0] =	wrdreg $0xFFFFFFFF;
	(pc) =	sbr.abs _section_cstart, $3  }
0xc0: {  	[dreg:$0x1] =	wrdreg $0xFFFFFFFF  }
0xc1: {  	_ =	task.clear_ibuf [dreg:s7], $0x2FFFF;
	_ =	strace $0x9FFFFFFF  }
0xc2: {  	(tm) =	ssettm $0x7FFFFFFF  }
0xc3: {  	_ =	shalt  }
tec
execute0_lowered:
.L_overlay_start_1:
0x0: {  	(tag) =	ssettag $0x1  }
0x1: {  	s1 =	stileid.u32  }
0x2: {  	p0 =	sgt.u32 s1, $0x7  }
.Ltmp0:
0x3: {  	_ = 	snop;
	(pc) =	sbr.rel @p0 .LBB2_5-.Ltmp0, $4  }
0x4: {  	s4 =	rddreg [dreg:$0x0]  }
0x5: {  	s3 =	rddreg [dreg:$0x1];
	s2 =	simm.s32 $0x0  }
0x6: {  	[smem:$0x7FF] =	sst s2  }
0x7: {  	s0 =	rddreg [dreg:$0x2];
	_ =	strace $0x80000047  }
0x8: {  	s5 =	srdreg.scid  }
0x9: {  	s6 =	sshll.u32 s1, $0x8;
	s7 =	sshrl.u32 s1, $0x2;
	s9 =	sadd.s32 $0x1000, s4  }
0xa: {  	s31 =	simm.s32 $0x600;
	p0 =	por $0x0, $0x0;
	s5 =	sand.u32 $0x1, s5  }
0xb: {  	s6 =	sand.u32 $0x300, s6;
	s8 =	sshll.u32 s5, $0x7;
	s5 =	ssub.s32 $0x2, s5  }
0xc: {  	s23 =	sshll.u32 s7, $0xC;
	s7 =	sshll.u32 s7, $0xA;
	s28 =	sshrl.u32 s5, $0x1  }
0xd: {  	[dreg:$0x5] =	wrdreg s9;
	s6 =	sor.u32 s8, s6;
	s29 =	ssub.s32 s5, s28  }
0xe: {  	[dreg:$0x7] =	wrdreg s31;
	s8 =	sor.u32 s23, s6;
	s30 =	smax.u32 s29, $0x1  }
0xf: {  	s6 =	sor.u32 s7, s6;
	s5 =	simm.s32 $0x80;
	p1 =	sne.s32 s30, $0x1  }
.Ltmp1:
0x10: {  	s8 =	sshrl.u32 s8, $0x3;
	s6 =	sshrl.u32 s6, $0x3;
	(pc) =	sbr.rel @!p1 .LBB2_4-.Ltmp1, $4  }
0x11: {  	s24 =	sadd.s32 s8, s4;
	s25 =	sadd.s32 s6, s4;
	s3 =	sadd.s32 s3, s8  }
0x12: {  	s6 =	simm.s32 $0x400;
	s26 =	sadd.s32 $0xC00, s24;
	[dreg:$0x3] =	wrdreg s3  }
0x13: {  	s7 =	sadd.s32 $0xFFFFFFFF, s30;
	s4 =	sadd.s32 $0x1200, s25;
	[dreg:$0x4] =	wrdreg s26  }
0x14: {  	vm0 =	vcmask $0x300;
	s3 =	simm.s32 $0x1;
	[dreg:$0x6] =	wrdreg s4;
	s4 =	simm.s32 $0x200  }
0x15: {  	s8 =	rddreg [dreg:$0x3]  }
0x16: {  	[tilespmem:s4], [sflag:$0x1] =	stream.strided.gather [hbm4b:s8+s5], $0x200, s6, s5, $0x38;
	[tilespmem:$0x680] =	vst v63  }
0x17: {  	_ =	swait.ge [sflag:s3], $0x200  }
0x18: {  	[sflag:s3] =	ssyncset.done $0x0  }
0x19: {  	s19 =	rddreg [dreg:$0x4];
	[sflag:s3] =	ssyncadd.s32 $0xFFFFFE00  }
0x1a: {  	[tilespmem:s6], [sflag:$0x1] =	stream.strided.gather [hbm4b:s19+s5], $0x200, s6, s5, $0x38;
	[tilespmem:$0x680] =	vst v63  }
0x1b: {  	_ =	swait.ge [sflag:s3], $0x200  }
0x1c: {  	[sflag:s3] =	ssyncset.done $0x0  }
0x1d: {  	s20 =	rddreg [dreg:$0x5];
	[sflag:s3] =	ssyncadd.s32 $0xFFFFFE00  }
0x1e: {  	[tilespmem:s2], [sflag:$0x1] =	stream.indirect.gather [hbm4b:s20+s4], $0x1, s4, s4, $0xb8;
	[tilespmem:$0x680] =	vst v63  }
0x1f: {  	_ =	swait.ge [sflag:s3], $0x200  }
0x20: {  	[sflag:s3] =	ssyncset.done $0x0  }
0x21: {  	[sflag:s3] =	ssyncadd.s32 $0xFFFFFE00  }
0x22: {  	v0 =	vld [tilespmem:$0x400];
	_ =	sdelay $0x1  }
0x23: {  	v1 =	vld [tilespmem:$0x410];
	_ =	sdelay $0x1  }
0x24: {  	v2 =	vld [tilespmem:$0x420]  }
0x25: {  	v3 =	vld [tilespmem:$0x0];
	v4 =	vadd.f32 $0.0e+00, v0  }
0x26: {  	v5 =	vld [tilespmem:$0x430]  }
0x27: {  	v6 =	vld [tilespmem:$0x10];
	v4 =	vadd.f32 v1, v4  }
0x28: {  	v7 =	vld [tilespmem:$0x440]  }
0x29: {  	v8 =	vld [tilespmem:$0x20];
	v4 =	vadd.f32 v2, v4  }
0x2a: {  	v0 =	vmul.f32 v0, v3;
	v3 =	vld [tilespmem:$0x450]  }
0x2b: {  	v9 =	vld [tilespmem:$0x30];
	v4 =	vadd.f32 v5, v4  }
0x2c: {  	v22 =	vld [tilespmem:$0x460];
	v0 =	vadd.f32 $0.0e+00, v0;
	v1 =	vmul.f32 v1, v6  }
0x2d: {  	v10 =	vld [tilespmem:$0x40];
	v4 =	vadd.f32 v7, v4  }
0x2e: {  	v0 =	vadd.f32 v1, v0;
	v1 =	vmul.f32 v2, v8;
	v2 =	vld [tilespmem:$0x470]  }
0x2f: {  	v23 =	vld [tilespmem:$0x50];
	v4 =	vadd.f32 v3, v4  }
0x30: {  	v24 =	vld [tilespmem:$0x480];
	v0 =	vadd.f32 v1, v0;
	v1 =	vmul.f32 v5, v9  }
0x31: {  	v25 =	vld [tilespmem:$0x60];
	v4 =	vadd.f32 v22, v4  }
0x32: {  	v26 =	vld [tilespmem:$0x490];
	v0 =	vadd.f32 v1, v0;
	v1 =	vmul.f32 v7, v10  }
0x33: {  	v27 =	vld [tilespmem:$0x70];
	v4 =	vadd.f32 v2, v4  }
0x34: {  	v3 =	vmul.f32 v3, v23;
	v0 =	vadd.f32 v1, v0;
	v1 =	vld [tilespmem:$0x4A0]  }
0x35: {  	v28 =	vld [tilespmem:$0x80];
	v4 =	vadd.f32 v24, v4  }
0x36: {  	v29 =	vld [tilespmem:$0x4B0];
	v0 =	vadd.f32 v3, v0;
	v3 =	vmul.f32 v22, v25  }
0x37: {  	v30 =	vld [tilespmem:$0x90];
	v4 =	vadd.f32 v26, v4  }
0x38: {  	v0 =	vadd.f32 v3, v0;
	v2 =	vmul.f32 v2, v27;
	v3 =	vld [tilespmem:$0x4C0]  }
0x39: {  	v31 =	vld [tilespmem:$0xA0];
	v4 =	vadd.f32 v1, v4  }
0x3a: {  	v32 =	vld [tilespmem:$0x4D0];
	v0 =	vadd.f32 v2, v0;
	v2 =	vmul.f32 v24, v28  }
0x3b: {  	v33 =	vld [tilespmem:$0xB0];
	v4 =	vadd.f32 v29, v4  }
0x3c: {  	v7 =	vmul.f32 v26, v30;
	v0 =	vadd.f32 v2, v0;
	v2 =	vld [tilespmem:$0x4E0]  }
0x3d: {  	v34 =	vld [tilespmem:$0xC0];
	v4 =	vadd.f32 v3, v4  }
0x3e: {  	v35 =	vld [tilespmem:$0x4F0];
	v1 =	vmul.f32 v1, v31;
	v0 =	vadd.f32 v7, v0  }
0x3f: {  	v36 =	vld [tilespmem:$0xD0];
	v4 =	vadd.f32 v32, v4  }
0x40: {  	v37 =	vld [tilespmem:$0x500];
	v0 =	vadd.f32 v1, v0;
	v1 =	vmul.f32 v29, v33  }
0x41: {  	v38 =	vld [tilespmem:$0xE0];
	v4 =	vadd.f32 v2, v4  }
0x42: {  	v0 =	vadd.f32 v1, v0;
	v1 =	vmul.f32 v3, v34;
	v3 =	vld [tilespmem:$0x510]  }
0x43: {  	v39 =	vld [tilespmem:$0xF0];
	v4 =	vadd.f32 v35, v4  }
0x44: {  	v40 =	vld [tilespmem:$0x520];
	v0 =	vadd.f32 v1, v0;
	v1 =	vmul.f32 v32, v36  }
0x45: {  	v41 =	vld [tilespmem:$0x100];
	v4 =	vadd.f32 v37, v4  }
0x46: {  	v0 =	vadd.f32 v1, v0;
	v1 =	vmul.f32 v2, v38;
	v2 =	vld [tilespmem:$0x530]  }
0x47: {  	v42 =	vld [tilespmem:$0x110];
	v4 =	vadd.f32 v3, v4  }
0x48: {  	v43 =	vld [tilespmem:$0x540];
	v0 =	vadd.f32 v1, v0;
	v1 =	vmul.f32 v35, v39  }
0x49: {  	v44 =	vld [tilespmem:$0x120];
	v4 =	vadd.f32 v40, v4  }
0x4a: {  	v45 =	vld [tilespmem:$0x550];
	v0 =	vadd.f32 v1, v0;
	v1 =	vmul.f32 v37, v41  }
0x4b: {  	v46 =	vld [tilespmem:$0x130];
	v4 =	vadd.f32 v2, v4  }
0x4c: {  	v3 =	vmul.f32 v3, v42;
	v0 =	vadd.f32 v1, v0;
	v1 =	vld [tilespmem:$0x560]  }
0x4d: {  	v47 =	vld [tilespmem:$0x140];
	v4 =	vadd.f32 v43, v4  }
0x4e: {  	v5 =	vmul.f32 v40, v44;
	v0 =	vadd.f32 v3, v0;
	v3 =	vld [tilespmem:$0x570]  }
0x4f: {  	v48 =	vld [tilespmem:$0x150];
	v4 =	vadd.f32 v45, v4  }
0x50: {  	v49 =	vld [tilespmem:$0x580];
	v2 =	vmul.f32 v2, v46;
	v0 =	vadd.f32 v5, v0  }
0x51: {  	v50 =	vld [tilespmem:$0x160];
	v4 =	vadd.f32 v1, v4  }
0x52: {  	v51 =	vld [tilespmem:$0x590];
	v0 =	vadd.f32 v2, v0;
	v2 =	vmul.f32 v43, v47  }
0x53: {  	v52 =	vld [tilespmem:$0x170];
	v4 =	vadd.f32 v3, v4  }
0x54: {  	v6 =	vmul.f32 v45, v48;
	v0 =	vadd.f32 v2, v0;
	v2 =	vld [tilespmem:$0x5A0]  }
0x55: {  	v53 =	vld [tilespmem:$0x180];
	v4 =	vadd.f32 v49, v4  }
0x56: {  	v54 =	vld [tilespmem:$0x5B0];
	v0 =	vadd.f32 v6, v0;
	v1 =	vmul.f32 v1, v50  }
0x57: {  	v55 =	vld [tilespmem:$0x190];
	v4 =	vadd.f32 v51, v4  }
0x58: {  	v0 =	vadd.f32 v1, v0;
	v1 =	vmul.f32 v3, v52;
	v3 =	vld [tilespmem:$0x5C0]  }
0x59: {  	v56 =	vld [tilespmem:$0x1A0];
	v4 =	vadd.f32 v2, v4  }
0x5a: {  	v5 =	vmul.f32 v49, v53;
	v0 =	vadd.f32 v1, v0;
	v1 =	vld [tilespmem:$0x5D0]  }
0x5b: {  	v57 =	vld [tilespmem:$0x1B0];
	v4 =	vadd.f32 v54, v4  }
0x5c: {  	v59 =	vld [tilespmem:$0x5E0];
	v58 =	vmul.f32 v51, v55;
	v0 =	vadd.f32 v5, v0  }
0x5d: {  	v60 =	vld [tilespmem:$0x1C0];
	v4 =	vadd.f32 v3, v4  }
0x5e: {  	v61 =	vld [tilespmem:$0x5F0];
	v2 =	vmul.f32 v2, v56;
	v0 =	vadd.f32 v58, v0  }
0x5f: {  	v62 =	vld [tilespmem:$0x1D0];
	v4 =	vadd.f32 v1, v4  }
0x60: {  	v0 =	vadd.f32 v2, v0;
	v2 =	vmul.f32 v54, v57  }
0x61: {  	v63 =	vld [tilespmem:$0x1E0];
	v4 =	vadd.f32 v59, v4  }
0x62: {  	v3 =	vmul.f32 v3, v60;
	v0 =	vadd.f32 v2, v0  }
0x63: {  	v2 =	vld [tilespmem:$0x1F0];
	v4 =	vadd.f32 v61, v4  }
0x64: {  	v0 =	vadd.f32 v3, v0;
	v1 =	vmul.f32 v1, v62  }
0x65: {  	(v2sf) =	vpush v4, $0x0  }
0x66: {  	v0 =	vadd.f32 v1, v0;
	v1 =	vmul.f32 v59, v63;
	(v2sf) =	vpush v4, $0x1;
	_ =	sdelay $0x1  }
0x67: {  	v2 =	vmul.f32 v61, v2;
	v0 =	vadd.f32 v1, v0;
	(v2sf) =	vpush v4, $0x2;
	_ =	sdelay $0x1  }
0x68: {  	v0 =	vadd.f32 v2, v0;
	(v2sf) =	vpush v4, $0x3  }
0x69: {  	(v2sf) =	vpush v4, $0x4  }
0x6a: {  	(v2sf) =	vpush v0, $0x1  }
0x6b: {  	(v2sf) =	vpush v0, $0x0  }
0x6c: {  	(v2sf) =	vpush v4, $0x5  }
0x6d: {  	(v2sf) =	vpush v4, $0x6  }
0x6e: {  	(v2sf) =	vpush v0, $0x2  }
0x6f: {  	(v2sf) =	vpush v0, $0x3  }
0x70: {  	(v2sf) =	vpush v4, $0x7  }
0x71: {  	(v2sf) =	vpush v0, $0x4  }
0x72: {  	s21 =	spop (v2sf);
	(v2sf) =	vpush v4, $0x8  }
0x73: {  	s9 =	spop (v2sf);
	(v2sf) =	vpush v0, $0x5  }
0x74: {  	s8 =	sadd.f32 s9, s21;
	(v2sf) =	vpush v4, $0x9  }
0x75: {  	s22 =	spop (v2sf);
	(v2sf) =	vpush v0, $0x6  }
0x76: {  	s8 =	sadd.f32 s8, s22;
	(v2sf) =	vpush v4, $0xA  }
0x77: {  	s23 =	spop (v2sf);
	(v2sf) =	vpush v0, $0x7  }
0x78: {  	s10 =	spop (v2sf);
	s8 =	sadd.f32 s8, s23;
	(v2sf) =	vpush v4, $0xB  }
0x79: {  	s24 =	spop (v2sf);
	(v2sf) =	vpush v0, $0x8  }
0x7a: {  	s11 =	spop (v2sf);
	s8 =	sadd.f32 s8, s10;
	(v2sf) =	vpush v4, $0xC  }
0x7b: {  	s25 =	spop (v2sf);
	(v2sf) =	vpush v0, $0x9  }
0x7c: {  	s26 =	spop (v2sf);
	s8 =	sadd.f32 s8, s25;
	(v2sf) =	vpush v4, $0xD  }
0x7d: {  	s9 =	sadd.f32 s24, s11;
	s28 =	spop (v2sf);
	(v2sf) =	vpush v0, $0xA  }
0x7e: {  	s29 =	spop (v2sf);
	s8 =	sadd.f32 s8, s26;
	(v2sf) =	vpush v4, $0xE  }
0x7f: {  	s9 =	sadd.f32 s9, s28;
	s30 =	spop (v2sf);
	(v2sf) =	vpush v0, $0xB  }
0x80: {  	s31 =	spop (v2sf);
	s8 =	sadd.f32 s8, s30;
	(v2sf) =	vpush v4, $0xF  }
0x81: {  	s9 =	sadd.f32 s9, s29;
	s12 =	spop (v2sf)  }
0x82: {  	s8 =	sadd.f32 s8, s12;
	s13 =	spop (v2sf)  }
0x83: {  	s9 =	sadd.f32 s9, s31;
	s14 =	spop (v2sf)  }
0x84: {  	(v2sf) =	vpush v0, $0xC;
	s8 =	sadd.f32 s8, s14;
	s15 =	spop (v2sf)  }
0x85: {  	s9 =	sadd.f32 s9, s13;
	s16 =	spop (v2sf)  }
0x86: {  	(v2sf) =	vpush v0, $0xD;
	s8 =	sadd.f32 s8, s16;
	s17 =	spop (v2sf)  }
0x87: {  	s9 =	sadd.f32 s9, s15;
	s18 =	spop (v2sf)  }
0x88: {  	(v2sf) =	vpush v0, $0xE;
	s8 =	sadd.f32 s8, s18;
	s19 =	spop (v2sf)  }
0x89: {  	s9 =	sadd.f32 s9, s17;
	s20 =	spop (v2sf)  }
0x8a: {  	(v2sf) =	vpush v0, $0xF;
	s8 =	sadd.f32 s8, s20;
	s21 =	spop (v2sf)  }
0x8b: {  	s9 =	sadd.f32 s9, s19;
	s22 =	spop (v2sf)  }
0x8c: {  	s8 =	sadd.f32 s8, s22;
	s23 =	spop (v2sf)  }
0x8d: {  	s9 =	sadd.f32 s9, s21;
	s24 =	spop (v2sf)  }
0x8e: {  	s8 =	sadd.f32 s8, s24;
	s25 =	spop (v2sf)  }
0x8f: {  	s9 =	sadd.f32 s9, s23;
	s26 =	spop (v2sf)  }
0x90: {  	s8 =	sadd.f32 s8, s26;
	_ =	sdelay $0x1  }
0x91: {  	s9 =	sadd.f32 s9, s25;
	v0 =	vmov s8  }
0x92: {  	s28 =	spop (v2sf);
	v0 =	vnsel vm0, $0x3F800000, v0  }
0x93: {  	s8 =	sadd.f32 s9, s28;
	(erf) = vrcp.f32 v0  }
0x94: {  	s29 =	spop (v2sf)  }
0x95: {  	s8 =	sadd.f32 s8, s29  }
0x96: {  	s30 =	spop (v2sf)  }
0x97: {  	s8 =	sadd.f32 s8, s30  }
0x98: {  	p1 =	sne.s32 s7, $0x1;
	s31 =	spop (v2sf)  }
.Ltmp2:
0x99: {  	s8 =	sadd.f32 s8, s31;
	(pc) =	sbr.rel @!p1 .LBB2_4-.Ltmp2, $4  }
0x9a: {  	_ = 	snop  }
0x9b: {  	v0 =	vmov s8  }
0x9c: {  	s9 =	rddreg [dreg:$0x6];
	v0 =	vnsel vm0, $0x0, v0;
	v1 =	vpop (erf)  }
0x9d: {  	s7 =	sadd.s32 $0xFFFFFFFF, s7;
	p0 =	por $0x1, $0x1;
	s8 =	rddreg [dreg:$0x7];
	v0 =	vmul.f32 v1, v0  }
.LBB2_3:
0x9e: {  	_ = 	snop  }
0x9f: {  	[tilespmem:$0x600] =	vst v0  }
0xa0: {  	[hbm4b:s9+s2] =	stream.linear.scatter [tilespmem:s8], [sflag:$0x1], $0x80, $0x38;
	[tilespmem:$0x680] =	vst v63  }
0xa1: {  	_ =	swait.ge [sflag:s3], $0x80  }
0xa2: {  	[sflag:s3] =	ssyncset.done $0x0  }
0xa3: {  	s18 =	rddreg [dreg:$0x3];
	[sflag:s3] =	ssyncadd.s32 $0xFFFFFF80  }
0xa4: {  	[tilespmem:s4], [sflag:$0x1] =	stream.strided.gather [hbm4b:s18+s5], $0x200, s6, s5, $0x38;
	[tilespmem:$0x680] =	vst v63  }
0xa5: {  	_ =	swait.ge [sflag:s3], $0x200  }
0xa6: {  	[sflag:s3] =	ssyncset.done $0x0  }
0xa7: {  	s19 =	rddreg [dreg:$0x4];
	[sflag:s3] =	ssyncadd.s32 $0xFFFFFE00  }
0xa8: {  	[tilespmem:s6], [sflag:$0x1] =	stream.strided.gather [hbm4b:s19+s5], $0x200, s6, s5, $0x38;
	[tilespmem:$0x680] =	vst v63  }
0xa9: {  	_ =	swait.ge [sflag:s3], $0x200  }
0xaa: {  	[sflag:s3] =	ssyncset.done $0x0  }
0xab: {  	s20 =	rddreg [dreg:$0x5];
	[sflag:s3] =	ssyncadd.s32 $0xFFFFFE00  }
0xac: {  	[tilespmem:s2], [sflag:$0x1] =	stream.indirect.gather [hbm4b:s20+s4], $0x1, s4, s4, $0xb8;
	[tilespmem:$0x680] =	vst v63  }
0xad: {  	_ =	swait.ge [sflag:s3], $0x200  }
0xae: {  	[sflag:s3] =	ssyncset.done $0x0  }
0xaf: {  	[sflag:s3] =	ssyncadd.s32 $0xFFFFFE00  }
0xb0: {  	v0 =	vld [tilespmem:$0x400];
	_ =	sdelay $0x1  }
0xb1: {  	v2 =	vld [tilespmem:$0x410]  }
0xb2: {  	v1 =	vld [tilespmem:$0x420]  }
0xb3: {  	v4 =	vld [tilespmem:$0x0]  }
0xb4: {  	v3 =	vld [tilespmem:$0x430];
	v5 =	vadd.f32 $0.0e+00, v0  }
0xb5: {  	v7 =	vld [tilespmem:$0x10]  }
0xb6: {  	v6 =	vld [tilespmem:$0x440];
	v5 =	vadd.f32 v2, v5  }
0xb7: {  	v9 =	vld [tilespmem:$0x20]  }
0xb8: {  	v15 =	vld [tilespmem:$0x450];
	v0 =	vmul.f32 v0, v4;
	v14 =	vadd.f32 v1, v5  }
0xb9: {  	v10 =	vld [tilespmem:$0x30]  }
0xba: {  	v16 =	vld [tilespmem:$0x460];
	v0 =	vadd.f32 $0.0e+00, v0;
	v2 =	vmul.f32 v2, v7;
	v4 =	vadd.f32 v3, v14  }
0xbb: {  	v11 =	vld [tilespmem:$0x40]  }
0xbc: {  	v8 =	vld [tilespmem:$0x50];
	v0 =	vadd.f32 v2, v0;
	v1 =	vmul.f32 v1, v9;
	v2 =	vadd.f32 v6, v4  }
0xbd: {  	v18 =	vld [tilespmem:$0x470]  }
0xbe: {  	v19 =	vld [tilespmem:$0x60];
	v0 =	vadd.f32 v1, v0;
	v1 =	vmul.f32 v3, v10;
	v2 =	vadd.f32 v15, v2  }
0xbf: {  	v3 =	vld [tilespmem:$0x480]  }
0xc0: {  	v20 =	vld [tilespmem:$0x490];
	v0 =	vadd.f32 v1, v0;
	v1 =	vmul.f32 v6, v11;
	v2 =	vadd.f32 v16, v2  }
0xc1: {  	v21 =	vld [tilespmem:$0x70]  }
0xc2: {  	v22 =	vld [tilespmem:$0x80];
	v8 =	vmul.f32 v15, v8;
	v0 =	vadd.f32 v1, v0;
	v1 =	vadd.f32 v18, v2  }
0xc3: {  	v2 =	vld [tilespmem:$0x4A0]  }
0xc4: {  	v17 =	vld [tilespmem:$0x90];
	v5 =	vmul.f32 v16, v19;
	v0 =	vadd.f32 v8, v0;
	v1 =	vadd.f32 v3, v1  }
0xc5: {  	v24 =	vld [tilespmem:$0x4B0]  }
0xc6: {  	v23 =	vld [tilespmem:$0xA0];
	v25 =	vmul.f32 v18, v21;
	v0 =	vadd.f32 v5, v0;
	v1 =	vadd.f32 v20, v1  }
0xc7: {  	v27 =	vld [tilespmem:$0x4C0]  }
0xc8: {  	v28 =	vld [tilespmem:$0x4D0];
	v0 =	vadd.f32 v25, v0;
	v3 =	vmul.f32 v3, v22;
	v1 =	vadd.f32 v2, v1  }
0xc9: {  	v29 =	vld [tilespmem:$0xB0]  }
0xca: {  	v30 =	vld [tilespmem:$0xC0];
	v4 =	vmul.f32 v20, v17;
	v0 =	vadd.f32 v3, v0;
	v1 =	vadd.f32 v24, v1  }
0xcb: {  	v3 =	vld [tilespmem:$0x4E0]  }
0xcc: {  	v31 =	vld [tilespmem:$0x4F0];
	v2 =	vmul.f32 v2, v23;
	v0 =	vadd.f32 v4, v0;
	v1 =	vadd.f32 v27, v1  }
0xcd: {  	v32 =	vld [tilespmem:$0xD0]  }
0xce: {  	v33 =	vld [tilespmem:$0x500];
	v0 =	vadd.f32 v2, v0;
	v2 =	vmul.f32 v24, v29;
	v1 =	vadd.f32 v28, v1  }
0xcf: {  	v34 =	vld [tilespmem:$0xE0]  }
0xd0: {  	v35 =	vld [tilespmem:$0x510];
	v0 =	vadd.f32 v2, v0;
	v2 =	vmul.f32 v27, v30;
	v1 =	vadd.f32 v3, v1  }
0xd1: {  	v36 =	vld [tilespmem:$0xF0]  }
0xd2: {  	v37 =	vld [tilespmem:$0x520];
	v0 =	vadd.f32 v2, v0;
	v2 =	vmul.f32 v28, v32;
	v1 =	vadd.f32 v31, v1  }
0xd3: {  	v38 =	vld [tilespmem:$0x100]  }
0xd4: {  	v26 =	vld [tilespmem:$0x110];
	v0 =	vadd.f32 v2, v0;
	v2 =	vmul.f32 v3, v34;
	v1 =	vadd.f32 v33, v1  }
0xd5: {  	v39 =	vld [tilespmem:$0x530]  }
0xd6: {  	v41 =	vld [tilespmem:$0x540];
	v0 =	vadd.f32 v2, v0;
	v2 =	vmul.f32 v31, v36;
	v1 =	vadd.f32 v35, v1  }
0xd7: {  	v3 =	vld [tilespmem:$0x120]  }
0xd8: {  	v40 =	vld [tilespmem:$0x130];
	v0 =	vadd.f32 v2, v0;
	v2 =	vmul.f32 v33, v38;
	v1 =	vadd.f32 v37, v1  }
0xd9: {  	v43 =	vld [tilespmem:$0x550]  }
0xda: {  	v44 =	vld [tilespmem:$0x140];
	v6 =	vmul.f32 v35, v26;
	v0 =	vadd.f32 v2, v0;
	v1 =	vadd.f32 v39, v1  }
0xdb: {  	v2 =	vld [tilespmem:$0x560]  }
0xdc: {  	v42 =	vld [tilespmem:$0x150];
	v3 =	vmul.f32 v37, v3;
	v0 =	vadd.f32 v6, v0;
	v1 =	vadd.f32 v41, v1  }
0xdd: {  	v46 =	vld [tilespmem:$0x570]  }
0xde: {  	v47 =	vld [tilespmem:$0x580];
	v4 =	vmul.f32 v39, v40;
	v0 =	vadd.f32 v3, v0;
	v1 =	vadd.f32 v43, v1  }
0xdf: {  	v48 =	vld [tilespmem:$0x160]  }
0xe0: {  	v50 =	vld [tilespmem:$0x590];
	v49 =	vmul.f32 v41, v44;
	v0 =	vadd.f32 v4, v0;
	v1 =	vadd.f32 v2, v1  }
0xe1: {  	v51 =	vld [tilespmem:$0x170]  }
0xe2: {  	v45 =	vld [tilespmem:$0x180];
	v3 =	vmul.f32 v43, v42;
	v0 =	vadd.f32 v49, v0;
	v1 =	vadd.f32 v46, v1  }
0xe3: {  	v53 =	vld [tilespmem:$0x5A0]  }
0xe4: {  	v54 =	vld [tilespmem:$0x190];
	v0 =	vadd.f32 v3, v0;
	v2 =	vmul.f32 v2, v48;
	v1 =	vadd.f32 v47, v1  }
0xe5: {  	v3 =	vld [tilespmem:$0x5B0]  }
0xe6: {  	v52 =	vld [tilespmem:$0x1A0];
	v0 =	vadd.f32 v2, v0;
	v2 =	vmul.f32 v46, v51;
	v1 =	vadd.f32 v50, v1  }
0xe7: {  	v56 =	vld [tilespmem:$0x5C0]  }
0xe8: {  	v57 =	vld [tilespmem:$0x5D0];
	v6 =	vmul.f32 v47, v45;
	v0 =	vadd.f32 v2, v0;
	v1 =	vadd.f32 v53, v1  }
0xe9: {  	v58 =	vld [tilespmem:$0x1B0]  }
0xea: {  	v55 =	vld [tilespmem:$0x1C0];
	v5 =	vmul.f32 v50, v54;
	v0 =	vadd.f32 v6, v0;
	v1 =	vadd.f32 v3, v1  }
0xeb: {  	v60 =	vld [tilespmem:$0x5E0]  }
0xec: {  	v62 =	vld [tilespmem:$0x5F0];
	v2 =	vmul.f32 v53, v52;
	v0 =	vadd.f32 v5, v0;
	v1 =	vadd.f32 v56, v1  }
0xed: {  	v63 =	vld [tilespmem:$0x1D0]  }
0xee: {  	v0 =	vadd.f32 v2, v0;
	v2 =	vmul.f32 v3, v58;
	v1 =	vadd.f32 v57, v1  }
0xef: {  	v3 =	vld [tilespmem:$0x1E0]  }
0xf0: {  	v61 =	vmul.f32 v56, v55;
	v0 =	vadd.f32 v2, v0;
	v1 =	vadd.f32 v60, v1  }
0xf1: {  	v59 =	vld [tilespmem:$0x1F0]  }
0xf2: {  	v4 =	vmul.f32 v57, v63;
	v0 =	vadd.f32 v61, v0;
	v1 =	vadd.f32 v62, v1;
	_ =	sdelay $0x1  }
0xf3: {  	v3 =	vmul.f32 v60, v3;
	v0 =	vadd.f32 v4, v0;
	(v2sf) =	vpush v1, $0x0  }
0xf4: {  	(v2sf) =	vpush v1, $0x1  }
0xf5: {  	v2 =	vmul.f32 v62, v59;
	v0 =	vadd.f32 v3, v0;
	(v2sf) =	vpush v1, $0x2;
	_ =	sdelay $0x1  }
0xf6: {  	v0 =	vadd.f32 v2, v0;
	(v2sf) =	vpush v1, $0x3  }
0xf7: {  	(v2sf) =	vpush v1, $0x4  }
0xf8: {  	(v2sf) =	vpush v0, $0x1  }
0xf9: {  	(v2sf) =	vpush v0, $0x0  }
0xfa: {  	(v2sf) =	vpush v1, $0x5  }
0xfb: {  	(v2sf) =	vpush v1, $0x6  }
0xfc: {  	(v2sf) =	vpush v0, $0x2;
	_ =	sdelay $0x1  }
0xfd: {  	(v2sf) =	vpush v0, $0x3  }
0xfe: {  	(v2sf) =	vpush v1, $0x7  }
0xff: {  	(v2sf) =	vpush v0, $0x4  }
0x100: {  	s21 =	spop (v2sf);
	(v2sf) =	vpush v1, $0x8  }
0x101: {  	s22 =	spop (v2sf);
	(v2sf) =	vpush v0, $0x5  }
0x102: {  	s8 =	sadd.f32 s22, s21;
	s23 =	spop (v2sf);
	(v2sf) =	vpush v1, $0x9  }
0x103: {  	(v2sf) =	vpush v0, $0x6  }
0x104: {  	s24 =	spop (v2sf);
	s8 =	sadd.f32 s8, s23;
	(v2sf) =	vpush v1, $0xA  }
0x105: {  	s10 =	spop (v2sf);
	(v2sf) =	vpush v0, $0x7  }
0x106: {  	s25 =	spop (v2sf);
	s8 =	sadd.f32 s8, s24;
	(v2sf) =	vpush v1, $0xB  }
0x107: {  	s11 =	spop (v2sf);
	(v2sf) =	vpush v0, $0x8  }
0x108: {  	s26 =	spop (v2sf);
	s8 =	sadd.f32 s8, s10;
	(v2sf) =	vpush v1, $0xC  }
0x109: {  	s28 =	spop (v2sf);
	(v2sf) =	vpush v0, $0x9  }
0x10a: {  	s29 =	spop (v2sf);
	s8 =	sadd.f32 s8, s26;
	(v2sf) =	vpush v1, $0xD  }
0x10b: {  	s9 =	sadd.f32 s25, s11;
	(v2sf) =	vpush v0, $0xA  }
0x10c: {  	s30 =	spop (v2sf);
	s8 =	sadd.f32 s8, s28;
	(v2sf) =	vpush v1, $0xE  }
0x10d: {  	s9 =	sadd.f32 s9, s29;
	s31 =	spop (v2sf);
	(v2sf) =	vpush v0, $0xB  }
0x10e: {  	s11 =	spop (v2sf);
	s8 =	sadd.f32 s8, s31;
	(v2sf) =	vpush v1, $0xF  }
0x10f: {  	s9 =	sadd.f32 s9, s30;
	s12 =	spop (v2sf)  }
0x110: {  	s8 =	sadd.f32 s8, s12;
	s13 =	spop (v2sf)  }
0x111: {  	s9 =	sadd.f32 s9, s11;
	s14 =	spop (v2sf)  }
0x112: {  	(v2sf) =	vpush v0, $0xC;
	s8 =	sadd.f32 s8, s14;
	s15 =	spop (v2sf)  }
0x113: {  	s9 =	sadd.f32 s9, s13;
	s16 =	spop (v2sf)  }
0x114: {  	(v2sf) =	vpush v0, $0xD;
	s8 =	sadd.f32 s8, s16;
	s17 =	spop (v2sf)  }
0x115: {  	s9 =	sadd.f32 s9, s15;
	s18 =	spop (v2sf)  }
0x116: {  	(v2sf) =	vpush v0, $0xE;
	s8 =	sadd.f32 s8, s18;
	s19 =	spop (v2sf)  }
0x117: {  	s9 =	sadd.f32 s9, s17;
	s20 =	spop (v2sf)  }
0x118: {  	(v2sf) =	vpush v0, $0xF;
	s8 =	sadd.f32 s8, s20;
	s21 =	spop (v2sf)  }
0x119: {  	s9 =	sadd.f32 s9, s19;
	s22 =	spop (v2sf)  }
0x11a: {  	s8 =	sadd.f32 s8, s22;
	s23 =	spop (v2sf)  }
0x11b: {  	s9 =	sadd.f32 s9, s21;
	s24 =	spop (v2sf)  }
0x11c: {  	s8 =	sadd.f32 s8, s24;
	s25 =	spop (v2sf)  }
0x11d: {  	s9 =	sadd.f32 s9, s23;
	s26 =	spop (v2sf)  }
0x11e: {  	s8 =	sadd.f32 s8, s26;
	_ =	sdelay $0x1  }
0x11f: {  	s9 =	sadd.f32 s9, s25;
	v0 =	vmov s8  }
0x120: {  	s28 =	spop (v2sf);
	v0 =	vnsel vm0, $0x3F800000, v0  }
0x121: {  	s9 =	sadd.f32 s9, s28;
	(erf) = vrcp.f32 v0  }
0x122: {  	s29 =	spop (v2sf)  }
0x123: {  	s8 =	sadd.f32 s9, s29  }
0x124: {  	s30 =	spop (v2sf)  }
0x125: {  	s8 =	sadd.f32 s8, s30  }
0x126: {  	p1 =	sne.s32 s7, $0x1;
	s31 =	spop (v2sf)  }
.Ltmp3:
0x127: {  	s8 =	sadd.f32 s8, s31;
	(pc) =	sbr.rel @p1 .LBB2_3-.Ltmp3, $4  }
0x128: {  	_ = 	snop  }
0x129: {  	v0 =	vmov s8  }
0x12a: {  	s9 =	rddreg [dreg:$0x6];
	v0 =	vnsel vm0, $0x0, v0;
	v1 =	vpop (erf)  }
0x12b: {  	s7 =	sadd.s32 $0xFFFFFFFF, s7;
	s8 =	rddreg [dreg:$0x7];
	v0 =	vmul.f32 v1, v0  }
.LBB2_4:
0x12c: {  	_ = 	snop  }
0x12d: {  	[tilespmem:$0x600] =	vst @p0 v0  }
0x12e: {  	[hbm4b:s9+s2] =	stream.linear.scatter @p0 [tilespmem:s8], [sflag:$0x1], $0x80, $0x38;
	[tilespmem:$0x680] =	vst v63  }
0x12f: {  	_ =	swait.ge @p0 [sflag:s3], $0x80  }
0x130: {  	[sflag:s3] =	ssyncset.done @p0 $0x0  }
0x131: {  	s7 =	rddreg [dreg:$0x3];
	[sflag:s3] =	ssyncadd.s32 @p0 $0xFFFFFF80  }
0x132: {  	[tilespmem:s4], [sflag:$0x1] =	stream.strided.gather [hbm4b:s7+s5], $0x200, s6, s5, $0x38;
	[tilespmem:$0x680] =	vst v63  }
0x133: {  	_ =	swait.ge [sflag:s3], $0x200  }
0x134: {  	[sflag:s3] =	ssyncset.done $0x0  }
0x135: {  	s18 =	rddreg [dreg:$0x4];
	[sflag:s3] =	ssyncadd.s32 $0xFFFFFE00  }
0x136: {  	[tilespmem:s6], [sflag:$0x1] =	stream.strided.gather [hbm4b:s18+s5], $0x200, s6, s5, $0x38;
	[tilespmem:$0x680] =	vst v63  }
0x137: {  	_ =	swait.ge [sflag:s3], $0x200  }
0x138: {  	[sflag:s3] =	ssyncset.done $0x0  }
0x139: {  	s19 =	rddreg [dreg:$0x5];
	[sflag:s3] =	ssyncadd.s32 $0xFFFFFE00  }
0x13a: {  	[tilespmem:s2], [sflag:$0x1] =	stream.indirect.gather [hbm4b:s19+s4], $0x1, s4, s4, $0xb8;
	[tilespmem:$0x680] =	vst v63  }
0x13b: {  	_ =	swait.ge [sflag:s3], $0x200  }
0x13c: {  	[sflag:s3] =	ssyncset.done $0x0  }
0x13d: {  	[sflag:s3] =	ssyncadd.s32 $0xFFFFFE00  }
0x13e: {  	v42 =	vld [tilespmem:$0x400];
	_ =	sdelay $0x1  }
0x13f: {  	v1 =	vld [tilespmem:$0x410];
	_ =	sdelay $0x1  }
0x140: {  	v2 =	vld [tilespmem:$0x420]  }
0x141: {  	v3 =	vld [tilespmem:$0x0];
	v4 =	vadd.f32 $0.0e+00, v42  }
0x142: {  	v5 =	vld [tilespmem:$0x430]  }
0x143: {  	v6 =	vld [tilespmem:$0x10];
	v4 =	vadd.f32 v1, v4  }
0x144: {  	v7 =	vld [tilespmem:$0x440]  }
0x145: {  	v8 =	vld [tilespmem:$0x20];
	v4 =	vadd.f32 v2, v4  }
0x146: {  	v43 =	vld [tilespmem:$0x450];
	v0 =	vmul.f32 v42, v3  }
0x147: {  	v9 =	vld [tilespmem:$0x30];
	v4 =	vadd.f32 v5, v4  }
0x148: {  	v44 =	vld [tilespmem:$0x460];
	v0 =	vadd.f32 $0.0e+00, v0;
	v1 =	vmul.f32 v1, v6  }
0x149: {  	v10 =	vld [tilespmem:$0x40];
	v4 =	vadd.f32 v7, v4  }
0x14a: {  	v46 =	vld [tilespmem:$0x470];
	v45 =	vmul.f32 v2, v8;
	v0 =	vadd.f32 v1, v0  }
0x14b: {  	v47 =	vld [tilespmem:$0x50];
	v4 =	vadd.f32 v43, v4  }
0x14c: {  	v49 =	vld [tilespmem:$0x480];
	v48 =	vmul.f32 v5, v9;
	v0 =	vadd.f32 v45, v0  }
0x14d: {  	v50 =	vld [tilespmem:$0x60];
	v4 =	vadd.f32 v44, v4  }
0x14e: {  	v52 =	vld [tilespmem:$0x490];
	v51 =	vmul.f32 v7, v10;
	v0 =	vadd.f32 v48, v0  }
0x14f: {  	v53 =	vld [tilespmem:$0x70];
	v4 =	vadd.f32 v46, v4  }
0x150: {  	v54 =	vld [tilespmem:$0x4A0];
	v3 =	vmul.f32 v43, v47;
	v0 =	vadd.f32 v51, v0  }
0x151: {  	v55 =	vld [tilespmem:$0x80];
	v4 =	vadd.f32 v49, v4  }
0x152: {  	v57 =	vld [tilespmem:$0x4B0];
	v56 =	vmul.f32 v44, v50;
	v0 =	vadd.f32 v3, v0  }
0x153: {  	v58 =	vld [tilespmem:$0x90];
	v4 =	vadd.f32 v52, v4  }
0x154: {  	v59 =	vld [tilespmem:$0x4C0];
	v2 =	vmul.f32 v46, v53;
	v0 =	vadd.f32 v56, v0  }
0x155: {  	v60 =	vld [tilespmem:$0xA0];
	v4 =	vadd.f32 v54, v4  }
0x156: {  	v62 =	vld [tilespmem:$0x4D0];
	v61 =	vmul.f32 v49, v55;
	v0 =	vadd.f32 v2, v0  }
0x157: {  	v63 =	vld [tilespmem:$0xB0];
	v4 =	vadd.f32 v57, v4  }
0x158: {  	v12 =	vld [tilespmem:$0x4E0];
	v7 =	vmul.f32 v52, v58;
	v0 =	vadd.f32 v61, v0  }
0x159: {  	v13 =	vld [tilespmem:$0xC0];
	v4 =	vadd.f32 v59, v4  }
0x15a: {  	v14 =	vld [tilespmem:$0x4F0];
	v1 =	vmul.f32 v54, v60;
	v0 =	vadd.f32 v7, v0  }
0x15b: {  	v15 =	vld [tilespmem:$0xD0];
	v4 =	vadd.f32 v62, v4  }
0x15c: {  	v17 =	vld [tilespmem:$0x500];
	v16 =	vmul.f32 v57, v63;
	v0 =	vadd.f32 v1, v0  }
0x15d: {  	v18 =	vld [tilespmem:$0xE0];
	v4 =	vadd.f32 v12, v4  }
0x15e: {  	v20 =	vld [tilespmem:$0x510];
	v19 =	vmul.f32 v59, v13;
	v0 =	vadd.f32 v16, v0  }
0x15f: {  	v21 =	vld [tilespmem:$0xF0];
	v4 =	vadd.f32 v14, v4  }
0x160: {  	v23 =	vld [tilespmem:$0x520];
	v22 =	vmul.f32 v62, v15;
	v0 =	vadd.f32 v19, v0  }
0x161: {  	v24 =	vld [tilespmem:$0x100];
	v4 =	vadd.f32 v17, v4  }
0x162: {  	v26 =	vld [tilespmem:$0x530];
	v25 =	vmul.f32 v12, v18;
	v0 =	vadd.f32 v22, v0  }
0x163: {  	v27 =	vld [tilespmem:$0x110];
	v4 =	vadd.f32 v20, v4  }
0x164: {  	v29 =	vld [tilespmem:$0x540];
	v28 =	vmul.f32 v14, v21;
	v0 =	vadd.f32 v25, v0  }
0x165: {  	v30 =	vld [tilespmem:$0x120];
	v4 =	vadd.f32 v23, v4  }
0x166: {  	v32 =	vld [tilespmem:$0x550];
	v31 =	vmul.f32 v17, v24;
	v0 =	vadd.f32 v28, v0  }
0x167: {  	v33 =	vld [tilespmem:$0x130];
	v4 =	vadd.f32 v26, v4  }
0x168: {  	v34 =	vld [tilespmem:$0x560];
	v3 =	vmul.f32 v20, v27;
	v0 =	vadd.f32 v31, v0  }
0x169: {  	v35 =	vld [tilespmem:$0x140];
	v4 =	vadd.f32 v29, v4  }
0x16a: {  	v36 =	vld [tilespmem:$0x570];
	v5 =	vmul.f32 v23, v30;
	v0 =	vadd.f32 v3, v0  }
0x16b: {  	v37 =	vld [tilespmem:$0x150];
	v4 =	vadd.f32 v32, v4  }
0x16c: {  	v38 =	vld [tilespmem:$0x580];
	v2 =	vmul.f32 v26, v33;
	v0 =	vadd.f32 v5, v0  }
0x16d: {  	v39 =	vld [tilespmem:$0x160];
	v4 =	vadd.f32 v34, v4  }
0x16e: {  	v41 =	vld [tilespmem:$0x590];
	v40 =	vmul.f32 v29, v35;
	v0 =	vadd.f32 v2, v0  }
0x16f: {  	v42 =	vld [tilespmem:$0x170];
	v4 =	vadd.f32 v36, v4  }
0x170: {  	v6 =	vmul.f32 v32, v37;
	v43 =	vld [tilespmem:$0x5A0];
	v0 =	vadd.f32 v40, v0  }
0x171: {  	v44 =	vld [tilespmem:$0x180];
	v4 =	vadd.f32 v38, v4  }
0x172: {  	v45 =	vld [tilespmem:$0x5B0];
	v1 =	vmul.f32 v34, v39;
	v0 =	vadd.f32 v6, v0  }
0x173: {  	v46 =	vld [tilespmem:$0x190];
	v4 =	vadd.f32 v41, v4  }
0x174: {  	v47 =	vmul.f32 v36, v42;
	v48 =	vld [tilespmem:$0x5C0];
	v0 =	vadd.f32 v1, v0  }
0x175: {  	v49 =	vld [tilespmem:$0x1A0];
	v4 =	vadd.f32 v43, v4  }
0x176: {  	v50 =	vld [tilespmem:$0x5D0];
	v5 =	vmul.f32 v38, v44;
	v0 =	vadd.f32 v47, v0  }
0x177: {  	v51 =	vld [tilespmem:$0x1B0];
	v4 =	vadd.f32 v45, v4  }
0x178: {  	v53 =	vld [tilespmem:$0x5E0];
	v52 =	vmul.f32 v41, v46;
	v0 =	vadd.f32 v5, v0  }
0x179: {  	v54 =	vld [tilespmem:$0x1C0];
	v4 =	vadd.f32 v48, v4  }
0x17a: {  	v55 =	vld [tilespmem:$0x5F0];
	v2 =	vmul.f32 v43, v49;
	v0 =	vadd.f32 v52, v0  }
0x17b: {  	v56 =	vld [tilespmem:$0x1D0];
	v4 =	vadd.f32 v50, v4  }
0x17c: {  	v57 =	vmul.f32 v45, v51;
	v0 =	vadd.f32 v2, v0  }
0x17d: {  	v58 =	vld [tilespmem:$0x1E0];
	v4 =	vadd.f32 v53, v4  }
0x17e: {  	v3 =	vmul.f32 v48, v54;
	v0 =	vadd.f32 v57, v0  }
0x17f: {  	v59 =	vld [tilespmem:$0x1F0];
	v4 =	vadd.f32 v55, v4  }
0x180: {  	v1 =	vmul.f32 v50, v56;
	v0 =	vadd.f32 v3, v0  }
0x181: {  	(v2sf) =	vpush v4, $0x0  }
0x182: {  	v60 =	vmul.f32 v53, v58;
	v0 =	vadd.f32 v1, v0;
	(v2sf) =	vpush v4, $0x1;
	_ =	sdelay $0x1  }
0x183: {  	v2 =	vmul.f32 v55, v59;
	v0 =	vadd.f32 v60, v0;
	(v2sf) =	vpush v4, $0x2;
	_ =	sdelay $0x1  }
0x184: {  	v0 =	vadd.f32 v2, v0;
	(v2sf) =	vpush v4, $0x3  }
0x185: {  	(v2sf) =	vpush v4, $0x4  }
0x186: {  	(v2sf) =	vpush v0, $0x1  }
0x187: {  	(v2sf) =	vpush v0, $0x0  }
0x188: {  	(v2sf) =	vpush v4, $0x5  }
0x189: {  	(v2sf) =	vpush v4, $0x6  }
0x18a: {  	(v2sf) =	vpush v0, $0x2  }
0x18b: {  	(v2sf) =	vpush v0, $0x3  }
0x18c: {  	(v2sf) =	vpush v4, $0x7  }
0x18d: {  	(v2sf) =	vpush v0, $0x4  }
0x18e: {  	s20 =	spop (v2sf);
	(v2sf) =	vpush v4, $0x8  }
0x18f: {  	s21 =	spop (v2sf);
	(v2sf) =	vpush v0, $0x5  }
0x190: {  	s4 =	sadd.f32 s21, s20;
	(v2sf) =	vpush v4, $0x9  }
0x191: {  	s22 =	spop (v2sf);
	(v2sf) =	vpush v0, $0x6  }
0x192: {  	s4 =	sadd.f32 s4, s22;
	(v2sf) =	vpush v4, $0xA  }
0x193: {  	s23 =	spop (v2sf);
	(v2sf) =	vpush v0, $0x7  }
0x194: {  	s24 =	spop (v2sf);
	s4 =	sadd.f32 s4, s23;
	(v2sf) =	vpush v4, $0xB  }
0x195: {  	s25 =	spop (v2sf);
	(v2sf) =	vpush v0, $0x8  }
0x196: {  	s26 =	spop (v2sf);
	s4 =	sadd.f32 s4, s24;
	(v2sf) =	vpush v4, $0xC  }
0x197: {  	s28 =	spop (v2sf);
	(v2sf) =	vpush v0, $0x9  }
0x198: {  	s29 =	spop (v2sf);
	s4 =	sadd.f32 s4, s28;
	(v2sf) =	vpush v4, $0xD  }
0x199: {  	s5 =	sadd.f32 s25, s26;
	s30 =	spop (v2sf);
	(v2sf) =	vpush v0, $0xA  }
0x19a: {  	s31 =	spop (v2sf);
	s4 =	sadd.f32 s4, s29;
	(v2sf) =	vpush v4, $0xE  }
0x19b: {  	s5 =	sadd.f32 s5, s30;
	s8 =	spop (v2sf);
	(v2sf) =	vpush v0, $0xB  }
0x19c: {  	s9 =	spop (v2sf);
	s4 =	sadd.f32 s4, s8;
	(v2sf) =	vpush v4, $0xF  }
0x19d: {  	s5 =	sadd.f32 s5, s31;
	s10 =	spop (v2sf)  }
0x19e: {  	s4 =	sadd.f32 s4, s10;
	s11 =	spop (v2sf)  }
0x19f: {  	s5 =	sadd.f32 s5, s9;
	s12 =	spop (v2sf)  }
0x1a0: {  	(v2sf) =	vpush v0, $0xC;
	s4 =	sadd.f32 s4, s12;
	s13 =	spop (v2sf)  }
0x1a1: {  	s5 =	sadd.f32 s5, s11;
	s14 =	spop (v2sf)  }
0x1a2: {  	(v2sf) =	vpush v0, $0xD;
	s4 =	sadd.f32 s4, s14;
	s15 =	spop (v2sf)  }
0x1a3: {  	s5 =	sadd.f32 s5, s13;
	s16 =	spop (v2sf)  }
0x1a4: {  	(v2sf) =	vpush v0, $0xE;
	s4 =	sadd.f32 s4, s16;
	s17 =	spop (v2sf)  }
0x1a5: {  	s5 =	sadd.f32 s5, s15;
	s18 =	spop (v2sf)  }
0x1a6: {  	(v2sf) =	vpush v0, $0xF;
	s4 =	sadd.f32 s4, s18;
	s19 =	spop (v2sf)  }
0x1a7: {  	s5 =	sadd.f32 s5, s17;
	s20 =	spop (v2sf)  }
0x1a8: {  	s4 =	sadd.f32 s4, s20;
	s21 =	spop (v2sf)  }
0x1a9: {  	s5 =	sadd.f32 s5, s19;
	s22 =	spop (v2sf)  }
0x1aa: {  	s4 =	sadd.f32 s4, s22;
	s23 =	spop (v2sf)  }
0x1ab: {  	s5 =	sadd.f32 s5, s21;
	s24 =	spop (v2sf)  }
0x1ac: {  	s4 =	sadd.f32 s4, s24;
	_ =	sdelay $0x1  }
0x1ad: {  	s5 =	sadd.f32 s5, s23;
	v61 =	vmov s4  }
0x1ae: {  	s25 =	spop (v2sf);
	v0 =	vnsel vm0, $0x3F800000, v61  }
0x1af: {  	s4 =	sadd.f32 s5, s25;
	(erf) = vrcp.f32 v0  }
0x1b0: {  	s26 =	spop (v2sf)  }
0x1b1: {  	s4 =	sadd.f32 s4, s26  }
0x1b2: {  	s28 =	spop (v2sf)  }
0x1b3: {  	s4 =	sadd.f32 s4, s28  }
0x1b4: {  	s29 =	spop (v2sf)  }
0x1b5: {  	s4 =	sadd.f32 s4, s29;
	_ =	sdelay $0x1  }
0x1b6: {  	v62 =	vmov s4  }
0x1b7: {  	v0 =	vnsel vm0, $0x0, v62;
	v63 =	vpop (erf)  }
0x1b8: {  	v0 =	vmul.f32 v63, v0  }
0x1b9: {  	s30 =	rddreg [dreg:$0x7]  }
0x1ba: {  	s31 =	rddreg [dreg:$0x6];
	[tilespmem:$0x600] =	vst v0  }
0x1bb: {  	[hbm4b:s31+s2] =	stream.linear.scatter [tilespmem:s30], [sflag:$0x1], $0x80, $0x38;
	[tilespmem:$0x680] =	vst v63  }
0x1bc: {  	_ =	swait.ge [sflag:s3], $0x80  }
0x1bd: {  	[sflag:s3] =	ssyncset.done $0x0  }
0x1be: {  	[sflag:s3] =	ssyncadd.s32 $0xFFFFFF80  }
.LBB2_5:
0x1bf: {  	_ =	sfence.sel $0x180000  }
0x1c0: {  	[bflag:$0x0] =	sbarrier.arrive $0xFFFF  }
0x1c1: {  	p0 =	sne.s32 s1, $0x0;
	_ =	strace $0x90000047  }
0x1c2: {  	s0 =	sadd.s32 @!p0 $0x100000, s0;
	[bflag:$0x2] =	sbarrier.arrive $0xFFFF  }
0x1c3: {  	[sflag:s0] =	ssyncadd.tile.s32 @!p0 $0x1;
	_ =	shalt  }
.Lfunc_end2:
_tile_overlayer_lowered:
.L_overlay_start_2:
0x1c4: {  	(tag) =	ssettag $0x2  }
0x1c5: {  	s0 =	rddreg [dreg:$0x0];
	s2 =	stileid.u32  }
0x1c6: {  	s1 =	rddreg [dreg:$0x1];
	p0 =	sne.s32 s2, $0x0  }
0x1c7: {  	s3 =	rddreg [dreg:$0x2];
	[bflag:$0x3] =	sbarrier.arrive $0xFFFF;
	s2 =	simm.s32 @!p0 $0x1C01  }
0x1c8: {  	[timem:s3], [sflag:s2] =	dma.local @!p0 [hbm:s0], s1  }
0x1c9: {  	s0 =	simm.s32 @!p0 $0x1  }
0x1ca: {  	_ =	swait.ge @!p0 [sflag:s0], s1  }
0x1cb: {  	s1 =	ssub.s32 @!p0 $0x0, s1;
	[sflag:s0] =	ssyncset.done @!p0 $0x0  }
0x1cc: {  	[sflag:s0] =	ssyncadd.s32 @!p0 s1  }
0x1cd: {  	[bflag:$0x3] =	sbarrier.arrive $0xFFFF  }
0x1ce: {  	_ =	shalt  }

</sc_bundles>
